<compile_context>
chip_gen: v7x
topology: tpu7x:2x2x1
jax: 0.10.2.dev20260603
libtpu: 0.0.44.dev20260713+nightly
codegen_flags: <defaults>
</compile_context>

<pallas_src>
import functools

import jax
import jax.numpy as jnp
from jax import lax
from jax.experimental import pallas as pl
from jax.experimental.pallas import tpu as pltpu
from jax.experimental.pallas import tpu_sc as plsc

VOCAB = 32000
D_MODEL = 2048
NTOK = 4 * 4096

NC = 2
NS = 16
NW = NC * NS
BPW = NTOK // NW
CH = 8
NBUF = 4
LOOK = 2
NCHUNK = BPW // CH
assert (NCHUNK - 2 * LOOK) % NBUF == 0 and NCHUNK >= 2 * NBUF


def _make_gather():
  mesh = plsc.VectorSubcoreMesh(core_axis_name="c", subcore_axis_name="s")

  @functools.partial(
      pl.kernel,
      mesh=mesh,
      out_type=jax.ShapeDtypeStruct((NTOK, D_MODEL), jnp.float32),
      scratch_types=[
          pltpu.VMEM((NCHUNK, CH), jnp.int32),
          pltpu.VMEM((NBUF, CH, D_MODEL), jnp.float32),
          pltpu.SemaphoreType.DMA((NBUF,)),
      ],
  )
  def emb_kernel(ids_hbm, table_hbm, out_hbm, idx_v, bufs, gsem):
    wid = lax.axis_index("s") * NC + lax.axis_index("c")
    base = wid * BPW

    pltpu.sync_copy(ids_hbm.at[wid], idx_v)

    def start_gather(c, b):
      pltpu.async_copy(table_hbm.at[idx_v.at[c]], bufs.at[b], gsem.at[b])

    def wait_gather(b):
      pltpu.make_async_copy(table_hbm.at[idx_v.at[0]], bufs.at[b],
                            gsem.at[b]).wait()

    def sync_put(c, b):
      pltpu.sync_copy(bufs.at[b], out_hbm.at[pl.ds(base + c * CH, CH)])

    for j in range(NBUF - 1):
      start_gather(j, j)

    def step(c, b):
      wait_gather(b)
      start_gather(c + NBUF - 1, (b + NBUF - 1) % NBUF)
      sync_put(c, b)

    def block(i, _):
      c0 = i * NBUF
      for j in range(NBUF):
        step(c0 + j, j)
      return ()

    lax.fori_loop(0, NCHUNK // NBUF - 1, block, (), unroll=False)

    c0 = NCHUNK - NBUF
    start_gather(NCHUNK - 1, (NCHUNK - 1) % NBUF)
    for j in range(NBUF):
      c = c0 + j
      b = c % NBUF
      wait_gather(b)
      sync_put(c, b)

  return emb_kernel


_GATHER_CACHE = {}


def _gather_fn():
  if "g" not in _GATHER_CACHE:
    _GATHER_CACHE["g"] = _make_gather()
  return _GATHER_CACHE["g"]


@jax.jit
def kernel(input_ids, embed_table):
  ids = input_ids.reshape(-1).astype(jnp.int32)
  ids_r = ids.reshape(NW, NCHUNK, CH)
  flat = _gather_fn()(ids_r, embed_table)
  hidden = flat.reshape(input_ids.shape + (D_MODEL,))
  return (hidden, input_ids + 0)

# --- scband reference (transcript-rebuilt; emitter-appended) ---
"""Pipeline reference for scband-llama-embeddings-26783416058356 (READ-ONLY COPY).

The authoritative reference and input builder live on the scoring server;
editing this copy changes nothing except your own understanding.
"""

import jax, jax.numpy as jnp
import numpy as np

VOCAB = 32000
D_MODEL = 2048
BATCH = 4
SEQ = 4096

def setup_inputs(seed: int = 0) -> dict:
    key = jax.random.key(seed)
    k1, k2 = jax.random.split(key)
    input_ids = jax.random.randint(k1, (BATCH, SEQ), 0, VOCAB, dtype=jnp.int64)
    # learned embedding table (model.transformer.embeddings.word_embeddings.weight)
    embed_table = jax.random.normal(k2, (VOCAB, D_MODEL), dtype=jnp.float32) * 0.02
    return {"input_ids": input_ids, "embed_table": embed_table}

def reference(input_ids, embed_table):
    # LlamaEmbeddings_.forward: hidden_states = self.embeddings(input_ids)
    # Llama uses pure word embeddings (rotary pos emb applied later, no learned
    # position embeddings), so embeddings(input_ids) is a row-gather.
    hidden_states = jnp.take(embed_table, input_ids, axis=0)  # [B, S, D]
    # input_ids = input_ids.clone(); return (hidden_states, input_ids)
    input_ids_clone = input_ids + 0
    return (hidden_states, input_ids_clone)

if __name__ == "__main__":
    import jax
    _d = setup_inputs()
    print(jax.jit(kernel)(*tuple(_d.values())))

</pallas_src>

<mosaic_0001>
#map = affine_map<(d0, d1) -> (0, 0, 0)>
#map1 = affine_map<(d0, d1) -> (0, 0)>
module attributes {stable_mosaic.version = 14 : i64} {
  func.func @emb_kernel(%arg0: i32, %arg1: i32, %arg2: memref<32x64x8xi32, #tpu.memory_space<hbm>>, %arg3: memref<32000x2048xf32, #tpu.memory_space<hbm>>, %arg4: memref<16384x2048xf32, #tpu.memory_space<hbm>>, %arg5: memref<64x8xi32, #tpu.memory_space<vmem>>, %arg6: memref<4x8x2048xf32, #tpu.memory_space<vmem>>, %arg7: memref<4x!tpu.dma_semaphore, #tpu.memory_space<semaphore_mem>>) attributes {dimension_semantics = [#tpu.dimension_semantics<core_parallel>, #tpu.dimension_semantics<subcore_parallel>], iteration_bounds = array<i64: 2, 16>, scalar_prefetch = 0 : i64, scratch_operands = 3 : i64, tpu.core_type = #tpu.core_type<sc_vector_subcore>, window_params = [{transform_indices = #map}, {transform_indices = #map1}, {transform_indices = #map1}]} {
    %mul3A = arith.constant 2 : i32
    %mul3A_0 = arith.muli %arg1, %mul3A : i32
    %add3A = arith.addi %mul3A_0, %arg0 : i32
    %mul3A_1 = arith.constant 512 : i32
    %mul3A_2 = arith.muli %add3A, %mul3A_1 : i32
    "tpu.region"() ({
      %run_scoped3A_136 = tpu.sem_alloc : memref<!tpu.dma_semaphore, #tpu.memory_space<semaphore_mem>>
      %dma_start3A_137 = arith.constant 0 : i32
      %dma_start3A_138 = arith.constant 0 : i32
      %dma_start3A_139 = tpu.memref_slice %arg2[%add3A, %dma_start3A_137, %dma_start3A_138] : memref<32x64x8xi32, #tpu.memory_space<hbm>> -> memref<1x64x8xi32, #tpu.memory_space<hbm>>
      %dma_start3A_140 = tpu.memref_squeeze %dma_start3A_139 : memref<1x64x8xi32, #tpu.memory_space<hbm>> -> memref<64x8xi32, #tpu.memory_space<hbm>>
      %dma_start3A_141 = arith.constant 0 : i32
      %dma_start3A_142 = arith.constant 0 : i32
      %dma_start3A_143 = tpu.memref_slice %arg2[%add3A, %dma_start3A_141, %dma_start3A_142] : memref<32x64x8xi32, #tpu.memory_space<hbm>> -> memref<1x64x8xi32, #tpu.memory_space<hbm>>
      %dma_start3A_144 = tpu.memref_squeeze %dma_start3A_143 : memref<1x64x8xi32, #tpu.memory_space<hbm>> -> memref<64x8xi32, #tpu.memory_space<hbm>>
      tpu.enqueue_dma source(%dma_start3A_144 : memref<64x8xi32, #tpu.memory_space<hbm>>) target(%arg5 : memref<64x8xi32, #tpu.memory_space<vmem>>) target_semaphore(%run_scoped3A_136 : memref<!tpu.dma_semaphore, #tpu.memory_space<semaphore_mem>>)
      %dma_wait3A_145 = arith.constant 0 : i32
      %dma_wait3A_146 = arith.constant 0 : i32
      %dma_wait3A_147 = tpu.memref_slice %arg2[%add3A, %dma_wait3A_145, %dma_wait3A_146] : memref<32x64x8xi32, #tpu.memory_space<hbm>> -> memref<1x64x8xi32, #tpu.memory_space<hbm>>
      %dma_wait3A_148 = tpu.memref_squeeze %dma_wait3A_147 : memref<1x64x8xi32, #tpu.memory_space<hbm>> -> memref<64x8xi32, #tpu.memory_space<hbm>>
      %dma_wait3A_149 = arith.constant 0 : i32
      %dma_wait3A_150 = arith.constant 0 : i32
      %dma_wait3A_151 = tpu.memref_slice %arg2[%add3A, %dma_wait3A_149, %dma_wait3A_150] : memref<32x64x8xi32, #tpu.memory_space<hbm>> -> memref<1x64x8xi32, #tpu.memory_space<hbm>>
      %dma_wait3A_152 = tpu.memref_squeeze %dma_wait3A_151 : memref<1x64x8xi32, #tpu.memory_space<hbm>> -> memref<64x8xi32, #tpu.memory_space<hbm>>
      tpu.wait_dma2 semaphore(%run_scoped3A_136 : memref<!tpu.dma_semaphore, #tpu.memory_space<semaphore_mem>>) src(%dma_wait3A_152 : memref<64x8xi32, #tpu.memory_space<hbm>>) dst(%arg5 : memref<64x8xi32, #tpu.memory_space<vmem>>)
      tpu.yield
    }) : () -> ()
    %dma_start3A = arith.constant 0 : i32
    %dma_start3A_3 = arith.constant 0 : i32
    %dma_start3A_4 = arith.constant 0 : i32
    %dma_start3A_5 = arith.constant 0 : i32
    %dma_start3A_6 = arith.constant 0 : i32
    %dma_start3A_7 = tpu.memref_slice %arg6[%dma_start3A_3, %dma_start3A_5, %dma_start3A_6] : memref<4x8x2048xf32, #tpu.memory_space<vmem>> -> memref<1x8x2048xf32, #tpu.memory_space<vmem>>
    %dma_start3A_8 = tpu.memref_squeeze %dma_start3A_7 : memref<1x8x2048xf32, #tpu.memory_space<vmem>> -> memref<8x2048xf32, #tpu.memory_space<vmem>>
    %dma_start3A_9 = arith.constant 0 : i32
    %dma_start3A_10 = tpu.memref_slice %arg5[%dma_start3A, %dma_start3A_9] : memref<64x8xi32, #tpu.memory_space<vmem>> -> memref<1x8xi32, #tpu.memory_space<vmem>>
    %dma_start3A_11 = tpu.memref_squeeze %dma_start3A_10 : memref<1x8xi32, #tpu.memory_space<vmem>> -> memref<8xi32, #tpu.memory_space<vmem>>
    %dma_start3A_12 = arith.constant 0 : i32
    %dma_start3A_13 = arith.constant 0 : i32
    %dma_start3A_14 = tpu.memref_slice %arg3[%dma_start3A_12, %dma_start3A_13] : memref<32000x2048xf32, #tpu.memory_space<hbm>> -> memref<32000x2048xf32, #tpu.memory_space<hbm>>
    %dma_start3A_15 = tpu.memref_slice %arg7[%dma_start3A_4] : memref<4x!tpu.dma_semaphore, #tpu.memory_space<semaphore_mem>> -> memref<1x!tpu.dma_semaphore, #tpu.memory_space<semaphore_mem>>
    %dma_start3A_16 = tpu.memref_squeeze %dma_start3A_15 : memref<1x!tpu.dma_semaphore, #tpu.memory_space<semaphore_mem>> -> memref<!tpu.dma_semaphore, #tpu.memory_space<semaphore_mem>>
    tpu.enqueue_indirect_dma source(%dma_start3A_14 : memref<32000x2048xf32, #tpu.memory_space<hbm>>) target(%dma_start3A_8 : memref<8x2048xf32, #tpu.memory_space<vmem>>) offsets(%dma_start3A_11 : memref<8xi32, #tpu.memory_space<vmem>>) semaphore(%dma_start3A_16 : memref<!tpu.dma_semaphore, #tpu.memory_space<semaphore_mem>>)
    %dma_start3A_17 = arith.constant 1 : i32
    %dma_start3A_18 = arith.constant 1 : i32
    %dma_start3A_19 = arith.constant 1 : i32
    %dma_start3A_20 = arith.constant 0 : i32
    %dma_start3A_21 = arith.constant 0 : i32
    %dma_start3A_22 = tpu.memref_slice %arg6[%dma_start3A_18, %dma_start3A_20, %dma_start3A_21] : memref<4x8x2048xf32, #tpu.memory_space<vmem>> -> memref<1x8x2048xf32, #tpu.memory_space<vmem>>
    %dma_start3A_23 = tpu.memref_squeeze %dma_start3A_22 : memref<1x8x2048xf32, #tpu.memory_space<vmem>> -> memref<8x2048xf32, #tpu.memory_space<vmem>>
    %dma_start3A_24 = arith.constant 0 : i32
    %dma_start3A_25 = tpu.memref_slice %arg5[%dma_start3A_17, %dma_start3A_24] : memref<64x8xi32, #tpu.memory_space<vmem>> -> memref<1x8xi32, #tpu.memory_space<vmem>>
    %dma_start3A_26 = tpu.memref_squeeze %dma_start3A_25 : memref<1x8xi32, #tpu.memory_space<vmem>> -> memref<8xi32, #tpu.memory_space<vmem>>
    %dma_start3A_27 = arith.constant 0 : i32
    %dma_start3A_28 = arith.constant 0 : i32
    %dma_start3A_29 = tpu.memref_slice %arg3[%dma_start3A_27, %dma_start3A_28] : memref<32000x2048xf32, #tpu.memory_space<hbm>> -> memref<32000x2048xf32, #tpu.memory_space<hbm>>
    %dma_start3A_30 = tpu.memref_slice %arg7[%dma_start3A_19] : memref<4x!tpu.dma_semaphore, #tpu.memory_space<semaphore_mem>> -> memref<1x!tpu.dma_semaphore, #tpu.memory_space<semaphore_mem>>
    %dma_start3A_31 = tpu.memref_squeeze %dma_start3A_30 : memref<1x!tpu.dma_semaphore, #tpu.memory_space<semaphore_mem>> -> memref<!tpu.dma_semaphore, #tpu.memory_space<semaphore_mem>>
    tpu.enqueue_indirect_dma source(%dma_start3A_29 : memref<32000x2048xf32, #tpu.memory_space<hbm>>) target(%dma_start3A_23 : memref<8x2048xf32, #tpu.memory_space<vmem>>) offsets(%dma_start3A_26 : memref<8xi32, #tpu.memory_space<vmem>>) semaphore(%dma_start3A_31 : memref<!tpu.dma_semaphore, #tpu.memory_space<semaphore_mem>>)
    %dma_start3A_32 = arith.constant 2 : i32
    %dma_start3A_33 = arith.constant 2 : i32
    %dma_start3A_34 = arith.constant 2 : i32
    %dma_start3A_35 = arith.constant 0 : i32
    %dma_start3A_36 = arith.constant 0 : i32
    %dma_start3A_37 = tpu.memref_slice %arg6[%dma_start3A_33, %dma_start3A_35, %dma_start3A_36] : memref<4x8x2048xf32, #tpu.memory_space<vmem>> -> memref<1x8x2048xf32, #tpu.memory_space<vmem>>
    %dma_start3A_38 = tpu.memref_squeeze %dma_start3A_37 : memref<1x8x2048xf32, #tpu.memory_space<vmem>> -> memref<8x2048xf32, #tpu.memory_space<vmem>>
    %dma_start3A_39 = arith.constant 0 : i32
    %dma_start3A_40 = tpu.memref_slice %arg5[%dma_start3A_32, %dma_start3A_39] : memref<64x8xi32, #tpu.memory_space<vmem>> -> memref<1x8xi32, #tpu.memory_space<vmem>>
    %dma_start3A_41 = tpu.memref_squeeze %dma_start3A_40 : memref<1x8xi32, #tpu.memory_space<vmem>> -> memref<8xi32, #tpu.memory_space<vmem>>
    %dma_start3A_42 = arith.constant 0 : i32
    %dma_start3A_43 = arith.constant 0 : i32
    %dma_start3A_44 = tpu.memref_slice %arg3[%dma_start3A_42, %dma_start3A_43] : memref<32000x2048xf32, #tpu.memory_space<hbm>> -> memref<32000x2048xf32, #tpu.memory_space<hbm>>
    %dma_start3A_45 = tpu.memref_slice %arg7[%dma_start3A_34] : memref<4x!tpu.dma_semaphore, #tpu.memory_space<semaphore_mem>> -> memref<1x!tpu.dma_semaphore, #tpu.memory_space<semaphore_mem>>
    %dma_start3A_46 = tpu.memref_squeeze %dma_start3A_45 : memref<1x!tpu.dma_semaphore, #tpu.memory_space<semaphore_mem>> -> memref<!tpu.dma_semaphore, #tpu.memory_space<semaphore_mem>>
    tpu.enqueue_indirect_dma source(%dma_start3A_44 : memref<32000x2048xf32, #tpu.memory_space<hbm>>) target(%dma_start3A_38 : memref<8x2048xf32, #tpu.memory_space<vmem>>) offsets(%dma_start3A_41 : memref<8xi32, #tpu.memory_space<vmem>>) semaphore(%dma_start3A_46 : memref<!tpu.dma_semaphore, #tpu.memory_space<semaphore_mem>>)
    %scan3A = arith.constant 0 : i32
    %scan3A_47 = arith.constant 15 : i32
    %scan3A_48 = arith.addi %scan3A, %scan3A_47 : i32
    %scan3A_49 = arith.constant 1 : i32
    scf.for %scan3A_136 = %scan3A to %scan3A_48 step %scan3A_49  : i32 {
      %mul3A_137 = arith.constant 4 : i32
      %mul3A_138 = arith.muli %scan3A_136, %mul3A_137 : i32
      %add3A_139 = arith.constant 0 : i32
      %add3A_140 = arith.addi %mul3A_138, %add3A_139 : i32
      %dma_wait3A_141 = arith.constant 0 : i32
      %dma_wait3A_142 = arith.constant 0 : i32
      %dma_wait3A_143 = arith.constant 0 : i32
      %dma_wait3A_144 = arith.constant 0 : i32
      %dma_wait3A_145 = arith.constant 0 : i32
      %dma_wait3A_146 = tpu.memref_slice %arg6[%dma_wait3A_142, %dma_wait3A_144, %dma_wait3A_145] : memref<4x8x2048xf32, #tpu.memory_space<vmem>> -> memref<1x8x2048xf32, #tpu.memory_space<vmem>>
      %dma_wait3A_147 = tpu.memref_squeeze %dma_wait3A_146 : memref<1x8x2048xf32, #tpu.memory_space<vmem>> -> memref<8x2048xf32, #tpu.memory_space<vmem>>
      %dma_wait3A_148 = arith.constant 0 : i32
      %dma_wait3A_149 = tpu.memref_slice %arg5[%dma_wait3A_141, %dma_wait3A_148] : memref<64x8xi32, #tpu.memory_space<vmem>> -> memref<1x8xi32, #tpu.memory_space<vmem>>
      %dma_wait3A_150 = tpu.memref_squeeze %dma_wait3A_149 : memref<1x8xi32, #tpu.memory_space<vmem>> -> memref<8xi32, #tpu.memory_space<vmem>>
      %dma_wait3A_151 = arith.constant 0 : i32
      %dma_wait3A_152 = arith.constant 0 : i32
      %dma_wait3A_153 = tpu.memref_slice %arg3[%dma_wait3A_151, %dma_wait3A_152] : memref<32000x2048xf32, #tpu.memory_space<hbm>> -> memref<32000x2048xf32, #tpu.memory_space<hbm>>
      %dma_wait3A_154 = tpu.memref_slice %arg7[%dma_wait3A_143] : memref<4x!tpu.dma_semaphore, #tpu.memory_space<semaphore_mem>> -> memref<1x!tpu.dma_semaphore, #tpu.memory_space<semaphore_mem>>
      %dma_wait3A_155 = tpu.memref_squeeze %dma_wait3A_154 : memref<1x!tpu.dma_semaphore, #tpu.memory_space<semaphore_mem>> -> memref<!tpu.dma_semaphore, #tpu.memory_space<semaphore_mem>>
      tpu.wait_indirect_dma semaphore(%dma_wait3A_155 : memref<!tpu.dma_semaphore, #tpu.memory_space<semaphore_mem>>) src(%dma_wait3A_153 : memref<32000x2048xf32, #tpu.memory_space<hbm>>) dst(%dma_wait3A_147 : memref<8x2048xf32, #tpu.memory_space<vmem>>)
      %add3A_156 = arith.constant 4 : i32
      %add3A_157 = arith.addi %add3A_140, %add3A_156 : i32
      %sub3A = arith.constant 1 : i32
      %sub3A_158 = arith.subi %add3A_157, %sub3A : i32
      %dma_start3A_159 = arith.constant 3 : i32
      %dma_start3A_160 = arith.constant 3 : i32
      %dma_start3A_161 = arith.constant 0 : i32
      %dma_start3A_162 = arith.constant 0 : i32
      %dma_start3A_163 = tpu.memref_slice %arg6[%dma_start3A_159, %dma_start3A_161, %dma_start3A_162] : memref<4x8x2048xf32, #tpu.memory_space<vmem>> -> memref<1x8x2048xf32, #tpu.memory_space<vmem>>
      %dma_start3A_164 = tpu.memref_squeeze %dma_start3A_163 : memref<1x8x2048xf32, #tpu.memory_space<vmem>> -> memref<8x2048xf32, #tpu.memory_space<vmem>>
      %dma_start3A_165 = arith.constant 0 : i32
      %dma_start3A_166 = tpu.memref_slice %arg5[%sub3A_158, %dma_start3A_165] : memref<64x8xi32, #tpu.memory_space<vmem>> -> memref<1x8xi32, #tpu.memory_space<vmem>>
      %dma_start3A_167 = tpu.memref_squeeze %dma_start3A_166 : memref<1x8xi32, #tpu.memory_space<vmem>> -> memref<8xi32, #tpu.memory_space<vmem>>
      %dma_start3A_168 = arith.constant 0 : i32
      %dma_start3A_169 = arith.constant 0 : i32
      %dma_start3A_170 = tpu.memref_slice %arg3[%dma_start3A_168, %dma_start3A_169] : memref<32000x2048xf32, #tpu.memory_space<hbm>> -> memref<32000x2048xf32, #tpu.memory_space<hbm>>
      %dma_start3A_171 = tpu.memref_slice %arg7[%dma_start3A_160] : memref<4x!tpu.dma_semaphore, #tpu.memory_space<semaphore_mem>> -> memref<1x!tpu.dma_semaphore, #tpu.memory_space<semaphore_mem>>
      %dma_start3A_172 = tpu.memref_squeeze %dma_start3A_171 : memref<1x!tpu.dma_semaphore, #tpu.memory_space<semaphore_mem>> -> memref<!tpu.dma_semaphore, #tpu.memory_space<semaphore_mem>>
      tpu.enqueue_indirect_dma source(%dma_start3A_170 : memref<32000x2048xf32, #tpu.memory_space<hbm>>) target(%dma_start3A_164 : memref<8x2048xf32, #tpu.memory_space<vmem>>) offsets(%dma_start3A_167 : memref<8xi32, #tpu.memory_space<vmem>>) semaphore(%dma_start3A_172 : memref<!tpu.dma_semaphore, #tpu.memory_space<semaphore_mem>>)
      %mul3A_173 = arith.constant 8 : i32
      %mul3A_174 = arith.muli %add3A_140, %mul3A_173 : i32
      %add3A_175 = arith.addi %mul3A_2, %mul3A_174 : i32
      %run_scoped3A_176 = arith.constant 0 : i32
      "tpu.region"() ({
        %run_scoped3A_294 = tpu.sem_alloc : memref<!tpu.dma_semaphore, #tpu.memory_space<semaphore_mem>>
        %dma_start3A_295 = arith.constant 0 : i32
        %dma_start3A_296 = arith.constant 0 : i32
        %dma_start3A_297 = tpu.memref_slice %arg6[%run_scoped3A_176, %dma_start3A_295, %dma_start3A_296] : memref<4x8x2048xf32, #tpu.memory_space<vmem>> -> memref<1x8x2048xf32, #tpu.memory_space<vmem>>
        %dma_start3A_298 = tpu.memref_squeeze %dma_start3A_297 : memref<1x8x2048xf32, #tpu.memory_space<vmem>> -> memref<8x2048xf32, #tpu.memory_space<vmem>>
        %dma_start3A_299 = arith.constant 0 : i32
        %dma_start3A_300 = tpu.memref_slice %arg4[%add3A_175, %dma_start3A_299] : memref<16384x2048xf32, #tpu.memory_space<hbm>> -> memref<8x2048xf32, #tpu.memory_space<hbm>>
        %dma_start3A_301 = arith.constant 0 : i32
        %dma_start3A_302 = tpu.memref_slice %arg4[%add3A_175, %dma_start3A_301] : memref<16384x2048xf32, #tpu.memory_space<hbm>> -> memref<8x2048xf32, #tpu.memory_space<hbm>>
        %dma_start3A_303 = arith.constant 0 : i32
        %dma_start3A_304 = arith.constant 0 : i32
        %dma_start3A_305 = tpu.memref_slice %arg6[%run_scoped3A_176, %dma_start3A_303, %dma_start3A_304] : memref<4x8x2048xf32, #tpu.memory_space<vmem>> -> memref<1x8x2048xf32, #tpu.memory_space<vmem>>
        %dma_start3A_306 = tpu.memref_squeeze %dma_start3A_305 : memref<1x8x2048xf32, #tpu.memory_space<vmem>> -> memref<8x2048xf32, #tpu.memory_space<vmem>>
        tpu.enqueue_dma source(%dma_start3A_306 : memref<8x2048xf32, #tpu.memory_space<vmem>>) target(%dma_start3A_302 : memref<8x2048xf32, #tpu.memory_space<hbm>>) target_semaphore(%run_scoped3A_294 : memref<!tpu.dma_semaphore, #tpu.memory_space<semaphore_mem>>)
        %dma_wait3A_307 = arith.constant 0 : i32
        %dma_wait3A_308 = arith.constant 0 : i32
        %dma_wait3A_309 = tpu.memref_slice %arg6[%run_scoped3A_176, %dma_wait3A_307, %dma_wait3A_308] : memref<4x8x2048xf32, #tpu.memory_space<vmem>> -> memref<1x8x2048xf32, #tpu.memory_space<vmem>>
        %dma_wait3A_310 = tpu.memref_squeeze %dma_wait3A_309 : memref<1x8x2048xf32, #tpu.memory_space<vmem>> -> memref<8x2048xf32, #tpu.memory_space<vmem>>
        %dma_wait3A_311 = arith.constant 0 : i32
        %dma_wait3A_312 = tpu.memref_slice %arg4[%add3A_175, %dma_wait3A_311] : memref<16384x2048xf32, #tpu.memory_space<hbm>> -> memref<8x2048xf32, #tpu.memory_space<hbm>>
        %dma_wait3A_313 = arith.constant 0 : i32
        %dma_wait3A_314 = tpu.memref_slice %arg4[%add3A_175, %dma_wait3A_313] : memref<16384x2048xf32, #tpu.memory_space<hbm>> -> memref<8x2048xf32, #tpu.memory_space<hbm>>
        %dma_wait3A_315 = arith.constant 0 : i32
        %dma_wait3A_316 = arith.constant 0 : i32
        %dma_wait3A_317 = tpu.memref_slice %arg6[%run_scoped3A_176, %dma_wait3A_315, %dma_wait3A_316] : memref<4x8x2048xf32, #tpu.memory_space<vmem>> -> memref<1x8x2048xf32, #tpu.memory_space<vmem>>
        %dma_wait3A_318 = tpu.memref_squeeze %dma_wait3A_317 : memref<1x8x2048xf32, #tpu.memory_space<vmem>> -> memref<8x2048xf32, #tpu.memory_space<vmem>>
        tpu.wait_dma2 semaphore(%run_scoped3A_294 : memref<!tpu.dma_semaphore, #tpu.memory_space<semaphore_mem>>) src(%dma_wait3A_318 : memref<8x2048xf32, #tpu.memory_space<vmem>>) dst(%dma_wait3A_314 : memref<8x2048xf32, #tpu.memory_space<hbm>>)
        tpu.yield
      }) : () -> ()
      %add3A_177 = arith.constant 1 : i32
      %add3A_178 = arith.addi %mul3A_138, %add3A_177 : i32
      %dma_wait3A_179 = arith.constant 0 : i32
      %dma_wait3A_180 = arith.constant 1 : i32
      %dma_wait3A_181 = arith.constant 1 : i32
      %dma_wait3A_182 = arith.constant 0 : i32
      %dma_wait3A_183 = arith.constant 0 : i32
      %dma_wait3A_184 = tpu.memref_slice %arg6[%dma_wait3A_180, %dma_wait3A_182, %dma_wait3A_183] : memref<4x8x2048xf32, #tpu.memory_space<vmem>> -> memref<1x8x2048xf32, #tpu.memory_space<vmem>>
      %dma_wait3A_185 = tpu.memref_squeeze %dma_wait3A_184 : memref<1x8x2048xf32, #tpu.memory_space<vmem>> -> memref<8x2048xf32, #tpu.memory_space<vmem>>
      %dma_wait3A_186 = arith.constant 0 : i32
      %dma_wait3A_187 = tpu.memref_slice %arg5[%dma_wait3A_179, %dma_wait3A_186] : memref<64x8xi32, #tpu.memory_space<vmem>> -> memref<1x8xi32, #tpu.memory_space<vmem>>
      %dma_wait3A_188 = tpu.memref_squeeze %dma_wait3A_187 : memref<1x8xi32, #tpu.memory_space<vmem>> -> memref<8xi32, #tpu.memory_space<vmem>>
      %dma_wait3A_189 = arith.constant 0 : i32
      %dma_wait3A_190 = arith.constant 0 : i32
      %dma_wait3A_191 = tpu.memref_slice %arg3[%dma_wait3A_189, %dma_wait3A_190] : memref<32000x2048xf32, #tpu.memory_space<hbm>> -> memref<32000x2048xf32, #tpu.memory_space<hbm>>
      %dma_wait3A_192 = tpu.memref_slice %arg7[%dma_wait3A_181] : memref<4x!tpu.dma_semaphore, #tpu.memory_space<semaphore_mem>> -> memref<1x!tpu.dma_semaphore, #tpu.memory_space<semaphore_mem>>
      %dma_wait3A_193 = tpu.memref_squeeze %dma_wait3A_192 : memref<1x!tpu.dma_semaphore, #tpu.memory_space<semaphore_mem>> -> memref<!tpu.dma_semaphore, #tpu.memory_space<semaphore_mem>>
      tpu.wait_indirect_dma semaphore(%dma_wait3A_193 : memref<!tpu.dma_semaphore, #tpu.memory_space<semaphore_mem>>) src(%dma_wait3A_191 : memref<32000x2048xf32, #tpu.memory_space<hbm>>) dst(%dma_wait3A_185 : memref<8x2048xf32, #tpu.memory_space<vmem>>)
      %add3A_194 = arith.constant 4 : i32
      %add3A_195 = arith.addi %add3A_178, %add3A_194 : i32
      %sub3A_196 = arith.constant 1 : i32
      %sub3A_197 = arith.subi %add3A_195, %sub3A_196 : i32
      %dma_start3A_198 = arith.constant 0 : i32
      %dma_start3A_199 = arith.constant 0 : i32
      %dma_start3A_200 = arith.constant 0 : i32
      %dma_start3A_201 = arith.constant 0 : i32
      %dma_start3A_202 = tpu.memref_slice %arg6[%dma_start3A_198, %dma_start3A_200, %dma_start3A_201] : memref<4x8x2048xf32, #tpu.memory_space<vmem>> -> memref<1x8x2048xf32, #tpu.memory_space<vmem>>
      %dma_start3A_203 = tpu.memref_squeeze %dma_start3A_202 : memref<1x8x2048xf32, #tpu.memory_space<vmem>> -> memref<8x2048xf32, #tpu.memory_space<vmem>>
      %dma_start3A_204 = arith.constant 0 : i32
      %dma_start3A_205 = tpu.memref_slice %arg5[%sub3A_197, %dma_start3A_204] : memref<64x8xi32, #tpu.memory_space<vmem>> -> memref<1x8xi32, #tpu.memory_space<vmem>>
      %dma_start3A_206 = tpu.memref_squeeze %dma_start3A_205 : memref<1x8xi32, #tpu.memory_space<vmem>> -> memref<8xi32, #tpu.memory_space<vmem>>
      %dma_start3A_207 = arith.constant 0 : i32
      %dma_start3A_208 = arith.constant 0 : i32
      %dma_start3A_209 = tpu.memref_slice %arg3[%dma_start3A_207, %dma_start3A_208] : memref<32000x2048xf32, #tpu.memory_space<hbm>> -> memref<32000x2048xf32, #tpu.memory_space<hbm>>
      %dma_start3A_210 = tpu.memref_slice %arg7[%dma_start3A_199] : memref<4x!tpu.dma_semaphore, #tpu.memory_space<semaphore_mem>> -> memref<1x!tpu.dma_semaphore, #tpu.memory_space<semaphore_mem>>
      %dma_start3A_211 = tpu.memref_squeeze %dma_start3A_210 : memref<1x!tpu.dma_semaphore, #tpu.memory_space<semaphore_mem>> -> memref<!tpu.dma_semaphore, #tpu.memory_space<semaphore_mem>>
      tpu.enqueue_indirect_dma source(%dma_start3A_209 : memref<32000x2048xf32, #tpu.memory_space<hbm>>) target(%dma_start3A_203 : memref<8x2048xf32, #tpu.memory_space<vmem>>) offsets(%dma_start3A_206 : memref<8xi32, #tpu.memory_space<vmem>>) semaphore(%dma_start3A_211 : memref<!tpu.dma_semaphore, #tpu.memory_space<semaphore_mem>>)
      %mul3A_212 = arith.constant 8 : i32
      %mul3A_213 = arith.muli %add3A_178, %mul3A_212 : i32
      %add3A_214 = arith.addi %mul3A_2, %mul3A_213 : i32
      %run_scoped3A_215 = arith.constant 1 : i32
      "tpu.region"() ({
        %run_scoped3A_294 = tpu.sem_alloc : memref<!tpu.dma_semaphore, #tpu.memory_space<semaphore_mem>>
        %dma_start3A_295 = arith.constant 0 : i32
        %dma_start3A_296 = arith.constant 0 : i32
        %dma_start3A_297 = tpu.memref_slice %arg6[%run_scoped3A_215, %dma_start3A_295, %dma_start3A_296] : memref<4x8x2048xf32, #tpu.memory_space<vmem>> -> memref<1x8x2048xf32, #tpu.memory_space<vmem>>
        %dma_start3A_298 = tpu.memref_squeeze %dma_start3A_297 : memref<1x8x2048xf32, #tpu.memory_space<vmem>> -> memref<8x2048xf32, #tpu.memory_space<vmem>>
        %dma_start3A_299 = arith.constant 0 : i32
        %dma_start3A_300 = tpu.memref_slice %arg4[%add3A_214, %dma_start3A_299] : memref<16384x2048xf32, #tpu.memory_space<hbm>> -> memref<8x2048xf32, #tpu.memory_space<hbm>>
        %dma_start3A_301 = arith.constant 0 : i32
        %dma_start3A_302 = tpu.memref_slice %arg4[%add3A_214, %dma_start3A_301] : memref<16384x2048xf32, #tpu.memory_space<hbm>> -> memref<8x2048xf32, #tpu.memory_space<hbm>>
        %dma_start3A_303 = arith.constant 0 : i32
        %dma_start3A_304 = arith.constant 0 : i32
        %dma_start3A_305 = tpu.memref_slice %arg6[%run_scoped3A_215, %dma_start3A_303, %dma_start3A_304] : memref<4x8x2048xf32, #tpu.memory_space<vmem>> -> memref<1x8x2048xf32, #tpu.memory_space<vmem>>
        %dma_start3A_306 = tpu.memref_squeeze %dma_start3A_305 : memref<1x8x2048xf32, #tpu.memory_space<vmem>> -> memref<8x2048xf32, #tpu.memory_space<vmem>>
        tpu.enqueue_dma source(%dma_start3A_306 : memref<8x2048xf32, #tpu.memory_space<vmem>>) target(%dma_start3A_302 : memref<8x2048xf32, #tpu.memory_space<hbm>>) target_semaphore(%run_scoped3A_294 : memref<!tpu.dma_semaphore, #tpu.memory_space<semaphore_mem>>)
        %dma_wait3A_307 = arith.constant 0 : i32
        %dma_wait3A_308 = arith.constant 0 : i32
        %dma_wait3A_309 = tpu.memref_slice %arg6[%run_scoped3A_215, %dma_wait3A_307, %dma_wait3A_308] : memref<4x8x2048xf32, #tpu.memory_space<vmem>> -> memref<1x8x2048xf32, #tpu.memory_space<vmem>>
        %dma_wait3A_310 = tpu.memref_squeeze %dma_wait3A_309 : memref<1x8x2048xf32, #tpu.memory_space<vmem>> -> memref<8x2048xf32, #tpu.memory_space<vmem>>
        %dma_wait3A_311 = arith.constant 0 : i32
        %dma_wait3A_312 = tpu.memref_slice %arg4[%add3A_214, %dma_wait3A_311] : memref<16384x2048xf32, #tpu.memory_space<hbm>> -> memref<8x2048xf32, #tpu.memory_space<hbm>>
        %dma_wait3A_313 = arith.constant 0 : i32
        %dma_wait3A_314 = tpu.memref_slice %arg4[%add3A_214, %dma_wait3A_313] : memref<16384x2048xf32, #tpu.memory_space<hbm>> -> memref<8x2048xf32, #tpu.memory_space<hbm>>
        %dma_wait3A_315 = arith.constant 0 : i32
        %dma_wait3A_316 = arith.constant 0 : i32
        %dma_wait3A_317 = tpu.memref_slice %arg6[%run_scoped3A_215, %dma_wait3A_315, %dma_wait3A_316] : memref<4x8x2048xf32, #tpu.memory_space<vmem>> -> memref<1x8x2048xf32, #tpu.memory_space<vmem>>
        %dma_wait3A_318 = tpu.memref_squeeze %dma_wait3A_317 : memref<1x8x2048xf32, #tpu.memory_space<vmem>> -> memref<8x2048xf32, #tpu.memory_space<vmem>>
        tpu.wait_dma2 semaphore(%run_scoped3A_294 : memref<!tpu.dma_semaphore, #tpu.memory_space<semaphore_mem>>) src(%dma_wait3A_318 : memref<8x2048xf32, #tpu.memory_space<vmem>>) dst(%dma_wait3A_314 : memref<8x2048xf32, #tpu.memory_space<hbm>>)
        tpu.yield
      }) : () -> ()
      %add3A_216 = arith.constant 2 : i32
      %add3A_217 = arith.addi %mul3A_138, %add3A_216 : i32
      %dma_wait3A_218 = arith.constant 0 : i32
      %dma_wait3A_219 = arith.constant 2 : i32
      %dma_wait3A_220 = arith.constant 2 : i32
      %dma_wait3A_221 = arith.constant 0 : i32
      %dma_wait3A_222 = arith.constant 0 : i32
      %dma_wait3A_223 = tpu.memref_slice %arg6[%dma_wait3A_219, %dma_wait3A_221, %dma_wait3A_222] : memref<4x8x2048xf32, #tpu.memory_space<vmem>> -> memref<1x8x2048xf32, #tpu.memory_space<vmem>>
      %dma_wait3A_224 = tpu.memref_squeeze %dma_wait3A_223 : memref<1x8x2048xf32, #tpu.memory_space<vmem>> -> memref<8x2048xf32, #tpu.memory_space<vmem>>
      %dma_wait3A_225 = arith.constant 0 : i32
      %dma_wait3A_226 = tpu.memref_slice %arg5[%dma_wait3A_218, %dma_wait3A_225] : memref<64x8xi32, #tpu.memory_space<vmem>> -> memref<1x8xi32, #tpu.memory_space<vmem>>
      %dma_wait3A_227 = tpu.memref_squeeze %dma_wait3A_226 : memref<1x8xi32, #tpu.memory_space<vmem>> -> memref<8xi32, #tpu.memory_space<vmem>>
      %dma_wait3A_228 = arith.constant 0 : i32
      %dma_wait3A_229 = arith.constant 0 : i32
      %dma_wait3A_230 = tpu.memref_slice %arg3[%dma_wait3A_228, %dma_wait3A_229] : memref<32000x2048xf32, #tpu.memory_space<hbm>> -> memref<32000x2048xf32, #tpu.memory_space<hbm>>
      %dma_wait3A_231 = tpu.memref_slice %arg7[%dma_wait3A_220] : memref<4x!tpu.dma_semaphore, #tpu.memory_space<semaphore_mem>> -> memref<1x!tpu.dma_semaphore, #tpu.memory_space<semaphore_mem>>
      %dma_wait3A_232 = tpu.memref_squeeze %dma_wait3A_231 : memref<1x!tpu.dma_semaphore, #tpu.memory_space<semaphore_mem>> -> memref<!tpu.dma_semaphore, #tpu.memory_space<semaphore_mem>>
      tpu.wait_indirect_dma semaphore(%dma_wait3A_232 : memref<!tpu.dma_semaphore, #tpu.memory_space<semaphore_mem>>) src(%dma_wait3A_230 : memref<32000x2048xf32, #tpu.memory_space<hbm>>) dst(%dma_wait3A_224 : memref<8x2048xf32, #tpu.memory_space<vmem>>)
      %add3A_233 = arith.constant 4 : i32
      %add3A_234 = arith.addi %add3A_217, %add3A_233 : i32
      %sub3A_235 = arith.constant 1 : i32
      %sub3A_236 = arith.subi %add3A_234, %sub3A_235 : i32
      %dma_start3A_237 = arith.constant 1 : i32
      %dma_start3A_238 = arith.constant 1 : i32
      %dma_start3A_239 = arith.constant 0 : i32
      %dma_start3A_240 = arith.constant 0 : i32
      %dma_start3A_241 = tpu.memref_slice %arg6[%dma_start3A_237, %dma_start3A_239, %dma_start3A_240] : memref<4x8x2048xf32, #tpu.memory_space<vmem>> -> memref<1x8x2048xf32, #tpu.memory_space<vmem>>
      %dma_start3A_242 = tpu.memref_squeeze %dma_start3A_241 : memref<1x8x2048xf32, #tpu.memory_space<vmem>> -> memref<8x2048xf32, #tpu.memory_space<vmem>>
      %dma_start3A_243 = arith.constant 0 : i32
      %dma_start3A_244 = tpu.memref_slice %arg5[%sub3A_236, %dma_start3A_243] : memref<64x8xi32, #tpu.memory_space<vmem>> -> memref<1x8xi32, #tpu.memory_space<vmem>>
      %dma_start3A_245 = tpu.memref_squeeze %dma_start3A_244 : memref<1x8xi32, #tpu.memory_space<vmem>> -> memref<8xi32, #tpu.memory_space<vmem>>
      %dma_start3A_246 = arith.constant 0 : i32
      %dma_start3A_247 = arith.constant 0 : i32
      %dma_start3A_248 = tpu.memref_slice %arg3[%dma_start3A_246, %dma_start3A_247] : memref<32000x2048xf32, #tpu.memory_space<hbm>> -> memref<32000x2048xf32, #tpu.memory_space<hbm>>
      %dma_start3A_249 = tpu.memref_slice %arg7[%dma_start3A_238] : memref<4x!tpu.dma_semaphore, #tpu.memory_space<semaphore_mem>> -> memref<1x!tpu.dma_semaphore, #tpu.memory_space<semaphore_mem>>
      %dma_start3A_250 = tpu.memref_squeeze %dma_start3A_249 : memref<1x!tpu.dma_semaphore, #tpu.memory_space<semaphore_mem>> -> memref<!tpu.dma_semaphore, #tpu.memory_space<semaphore_mem>>
      tpu.enqueue_indirect_dma source(%dma_start3A_248 : memref<32000x2048xf32, #tpu.memory_space<hbm>>) target(%dma_start3A_242 : memref<8x2048xf32, #tpu.memory_space<vmem>>) offsets(%dma_start3A_245 : memref<8xi32, #tpu.memory_space<vmem>>) semaphore(%dma_start3A_250 : memref<!tpu.dma_semaphore, #tpu.memory_space<semaphore_mem>>)
      %mul3A_251 = arith.constant 8 : i32
      %mul3A_252 = arith.muli %add3A_217, %mul3A_251 : i32
      %add3A_253 = arith.addi %mul3A_2, %mul3A_252 : i32
      %run_scoped3A_254 = arith.constant 2 : i32
      "tpu.region"() ({
        %run_scoped3A_294 = tpu.sem_alloc : memref<!tpu.dma_semaphore, #tpu.memory_space<semaphore_mem>>
        %dma_start3A_295 = arith.constant 0 : i32
        %dma_start3A_296 = arith.constant 0 : i32
        %dma_start3A_297 = tpu.memref_slice %arg6[%run_scoped3A_254, %dma_start3A_295, %dma_start3A_296] : memref<4x8x2048xf32, #tpu.memory_space<vmem>> -> memref<1x8x2048xf32, #tpu.memory_space<vmem>>
        %dma_start3A_298 = tpu.memref_squeeze %dma_start3A_297 : memref<1x8x2048xf32, #tpu.memory_space<vmem>> -> memref<8x2048xf32, #tpu.memory_space<vmem>>
        %dma_start3A_299 = arith.constant 0 : i32
        %dma_start3A_300 = tpu.memref_slice %arg4[%add3A_253, %dma_start3A_299] : memref<16384x2048xf32, #tpu.memory_space<hbm>> -> memref<8x2048xf32, #tpu.memory_space<hbm>>
        %dma_start3A_301 = arith.constant 0 : i32
        %dma_start3A_302 = tpu.memref_slice %arg4[%add3A_253, %dma_start3A_301] : memref<16384x2048xf32, #tpu.memory_space<hbm>> -> memref<8x2048xf32, #tpu.memory_space<hbm>>
        %dma_start3A_303 = arith.constant 0 : i32
        %dma_start3A_304 = arith.constant 0 : i32
        %dma_start3A_305 = tpu.memref_slice %arg6[%run_scoped3A_254, %dma_start3A_303, %dma_start3A_304] : memref<4x8x2048xf32, #tpu.memory_space<vmem>> -> memref<1x8x2048xf32, #tpu.memory_space<vmem>>
        %dma_start3A_306 = tpu.memref_squeeze %dma_start3A_305 : memref<1x8x2048xf32, #tpu.memory_space<vmem>> -> memref<8x2048xf32, #tpu.memory_space<vmem>>
        tpu.enqueue_dma source(%dma_start3A_306 : memref<8x2048xf32, #tpu.memory_space<vmem>>) target(%dma_start3A_302 : memref<8x2048xf32, #tpu.memory_space<hbm>>) target_semaphore(%run_scoped3A_294 : memref<!tpu.dma_semaphore, #tpu.memory_space<semaphore_mem>>)
        %dma_wait3A_307 = arith.constant 0 : i32
        %dma_wait3A_308 = arith.constant 0 : i32
        %dma_wait3A_309 = tpu.memref_slice %arg6[%run_scoped3A_254, %dma_wait3A_307, %dma_wait3A_308] : memref<4x8x2048xf32, #tpu.memory_space<vmem>> -> memref<1x8x2048xf32, #tpu.memory_space<vmem>>
        %dma_wait3A_310 = tpu.memref_squeeze %dma_wait3A_309 : memref<1x8x2048xf32, #tpu.memory_space<vmem>> -> memref<8x2048xf32, #tpu.memory_space<vmem>>
        %dma_wait3A_311 = arith.constant 0 : i32
        %dma_wait3A_312 = tpu.memref_slice %arg4[%add3A_253, %dma_wait3A_311] : memref<16384x2048xf32, #tpu.memory_space<hbm>> -> memref<8x2048xf32, #tpu.memory_space<hbm>>
        %dma_wait3A_313 = arith.constant 0 : i32
        %dma_wait3A_314 = tpu.memref_slice %arg4[%add3A_253, %dma_wait3A_313] : memref<16384x2048xf32, #tpu.memory_space<hbm>> -> memref<8x2048xf32, #tpu.memory_space<hbm>>
        %dma_wait3A_315 = arith.constant 0 : i32
        %dma_wait3A_316 = arith.constant 0 : i32
        %dma_wait3A_317 = tpu.memref_slice %arg6[%run_scoped3A_254, %dma_wait3A_315, %dma_wait3A_316] : memref<4x8x2048xf32, #tpu.memory_space<vmem>> -> memref<1x8x2048xf32, #tpu.memory_space<vmem>>
        %dma_wait3A_318 = tpu.memref_squeeze %dma_wait3A_317 : memref<1x8x2048xf32, #tpu.memory_space<vmem>> -> memref<8x2048xf32, #tpu.memory_space<vmem>>
        tpu.wait_dma2 semaphore(%run_scoped3A_294 : memref<!tpu.dma_semaphore, #tpu.memory_space<semaphore_mem>>) src(%dma_wait3A_318 : memref<8x2048xf32, #tpu.memory_space<vmem>>) dst(%dma_wait3A_314 : memref<8x2048xf32, #tpu.memory_space<hbm>>)
        tpu.yield
      }) : () -> ()
      %add3A_255 = arith.constant 3 : i32
      %add3A_256 = arith.addi %mul3A_138, %add3A_255 : i32
      %dma_wait3A_257 = arith.constant 0 : i32
      %dma_wait3A_258 = arith.constant 3 : i32
      %dma_wait3A_259 = arith.constant 3 : i32
      %dma_wait3A_260 = arith.constant 0 : i32
      %dma_wait3A_261 = arith.constant 0 : i32
      %dma_wait3A_262 = tpu.memref_slice %arg6[%dma_wait3A_258, %dma_wait3A_260, %dma_wait3A_261] : memref<4x8x2048xf32, #tpu.memory_space<vmem>> -> memref<1x8x2048xf32, #tpu.memory_space<vmem>>
      %dma_wait3A_263 = tpu.memref_squeeze %dma_wait3A_262 : memref<1x8x2048xf32, #tpu.memory_space<vmem>> -> memref<8x2048xf32, #tpu.memory_space<vmem>>
      %dma_wait3A_264 = arith.constant 0 : i32
      %dma_wait3A_265 = tpu.memref_slice %arg5[%dma_wait3A_257, %dma_wait3A_264] : memref<64x8xi32, #tpu.memory_space<vmem>> -> memref<1x8xi32, #tpu.memory_space<vmem>>
      %dma_wait3A_266 = tpu.memref_squeeze %dma_wait3A_265 : memref<1x8xi32, #tpu.memory_space<vmem>> -> memref<8xi32, #tpu.memory_space<vmem>>
      %dma_wait3A_267 = arith.constant 0 : i32
      %dma_wait3A_268 = arith.constant 0 : i32
      %dma_wait3A_269 = tpu.memref_slice %arg3[%dma_wait3A_267, %dma_wait3A_268] : memref<32000x2048xf32, #tpu.memory_space<hbm>> -> memref<32000x2048xf32, #tpu.memory_space<hbm>>
      %dma_wait3A_270 = tpu.memref_slice %arg7[%dma_wait3A_259] : memref<4x!tpu.dma_semaphore, #tpu.memory_space<semaphore_mem>> -> memref<1x!tpu.dma_semaphore, #tpu.memory_space<semaphore_mem>>
      %dma_wait3A_271 = tpu.memref_squeeze %dma_wait3A_270 : memref<1x!tpu.dma_semaphore, #tpu.memory_space<semaphore_mem>> -> memref<!tpu.dma_semaphore, #tpu.memory_space<semaphore_mem>>
      tpu.wait_indirect_dma semaphore(%dma_wait3A_271 : memref<!tpu.dma_semaphore, #tpu.memory_space<semaphore_mem>>) src(%dma_wait3A_269 : memref<32000x2048xf32, #tpu.memory_space<hbm>>) dst(%dma_wait3A_263 : memref<8x2048xf32, #tpu.memory_space<vmem>>)
      %add3A_272 = arith.constant 4 : i32
      %add3A_273 = arith.addi %add3A_256, %add3A_272 : i32
      %sub3A_274 = arith.constant 1 : i32
      %sub3A_275 = arith.subi %add3A_273, %sub3A_274 : i32
      %dma_start3A_276 = arith.constant 2 : i32
      %dma_start3A_277 = arith.constant 2 : i32
      %dma_start3A_278 = arith.constant 0 : i32
      %dma_start3A_279 = arith.constant 0 : i32
      %dma_start3A_280 = tpu.memref_slice %arg6[%dma_start3A_276, %dma_start3A_278, %dma_start3A_279] : memref<4x8x2048xf32, #tpu.memory_space<vmem>> -> memref<1x8x2048xf32, #tpu.memory_space<vmem>>
      %dma_start3A_281 = tpu.memref_squeeze %dma_start3A_280 : memref<1x8x2048xf32, #tpu.memory_space<vmem>> -> memref<8x2048xf32, #tpu.memory_space<vmem>>
      %dma_start3A_282 = arith.constant 0 : i32
      %dma_start3A_283 = tpu.memref_slice %arg5[%sub3A_275, %dma_start3A_282] : memref<64x8xi32, #tpu.memory_space<vmem>> -> memref<1x8xi32, #tpu.memory_space<vmem>>
      %dma_start3A_284 = tpu.memref_squeeze %dma_start3A_283 : memref<1x8xi32, #tpu.memory_space<vmem>> -> memref<8xi32, #tpu.memory_space<vmem>>
      %dma_start3A_285 = arith.constant 0 : i32
      %dma_start3A_286 = arith.constant 0 : i32
      %dma_start3A_287 = tpu.memref_slice %arg3[%dma_start3A_285, %dma_start3A_286] : memref<32000x2048xf32, #tpu.memory_space<hbm>> -> memref<32000x2048xf32, #tpu.memory_space<hbm>>
      %dma_start3A_288 = tpu.memref_slice %arg7[%dma_start3A_277] : memref<4x!tpu.dma_semaphore, #tpu.memory_space<semaphore_mem>> -> memref<1x!tpu.dma_semaphore, #tpu.memory_space<semaphore_mem>>
      %dma_start3A_289 = tpu.memref_squeeze %dma_start3A_288 : memref<1x!tpu.dma_semaphore, #tpu.memory_space<semaphore_mem>> -> memref<!tpu.dma_semaphore, #tpu.memory_space<semaphore_mem>>
      tpu.enqueue_indirect_dma source(%dma_start3A_287 : memref<32000x2048xf32, #tpu.memory_space<hbm>>) target(%dma_start3A_281 : memref<8x2048xf32, #tpu.memory_space<vmem>>) offsets(%dma_start3A_284 : memref<8xi32, #tpu.memory_space<vmem>>) semaphore(%dma_start3A_289 : memref<!tpu.dma_semaphore, #tpu.memory_space<semaphore_mem>>)
      %mul3A_290 = arith.constant 8 : i32
      %mul3A_291 = arith.muli %add3A_256, %mul3A_290 : i32
      %add3A_292 = arith.addi %mul3A_2, %mul3A_291 : i32
      %run_scoped3A_293 = arith.constant 3 : i32
      "tpu.region"() ({
        %run_scoped3A_294 = tpu.sem_alloc : memref<!tpu.dma_semaphore, #tpu.memory_space<semaphore_mem>>
        %dma_start3A_295 = arith.constant 0 : i32
        %dma_start3A_296 = arith.constant 0 : i32
        %dma_start3A_297 = tpu.memref_slice %arg6[%run_scoped3A_293, %dma_start3A_295, %dma_start3A_296] : memref<4x8x2048xf32, #tpu.memory_space<vmem>> -> memref<1x8x2048xf32, #tpu.memory_space<vmem>>
        %dma_start3A_298 = tpu.memref_squeeze %dma_start3A_297 : memref<1x8x2048xf32, #tpu.memory_space<vmem>> -> memref<8x2048xf32, #tpu.memory_space<vmem>>
        %dma_start3A_299 = arith.constant 0 : i32
        %dma_start3A_300 = tpu.memref_slice %arg4[%add3A_292, %dma_start3A_299] : memref<16384x2048xf32, #tpu.memory_space<hbm>> -> memref<8x2048xf32, #tpu.memory_space<hbm>>
        %dma_start3A_301 = arith.constant 0 : i32
        %dma_start3A_302 = tpu.memref_slice %arg4[%add3A_292, %dma_start3A_301] : memref<16384x2048xf32, #tpu.memory_space<hbm>> -> memref<8x2048xf32, #tpu.memory_space<hbm>>
        %dma_start3A_303 = arith.constant 0 : i32
        %dma_start3A_304 = arith.constant 0 : i32
        %dma_start3A_305 = tpu.memref_slice %arg6[%run_scoped3A_293, %dma_start3A_303, %dma_start3A_304] : memref<4x8x2048xf32, #tpu.memory_space<vmem>> -> memref<1x8x2048xf32, #tpu.memory_space<vmem>>
        %dma_start3A_306 = tpu.memref_squeeze %dma_start3A_305 : memref<1x8x2048xf32, #tpu.memory_space<vmem>> -> memref<8x2048xf32, #tpu.memory_space<vmem>>
        tpu.enqueue_dma source(%dma_start3A_306 : memref<8x2048xf32, #tpu.memory_space<vmem>>) target(%dma_start3A_302 : memref<8x2048xf32, #tpu.memory_space<hbm>>) target_semaphore(%run_scoped3A_294 : memref<!tpu.dma_semaphore, #tpu.memory_space<semaphore_mem>>)
        %dma_wait3A_307 = arith.constant 0 : i32
        %dma_wait3A_308 = arith.constant 0 : i32
        %dma_wait3A_309 = tpu.memref_slice %arg6[%run_scoped3A_293, %dma_wait3A_307, %dma_wait3A_308] : memref<4x8x2048xf32, #tpu.memory_space<vmem>> -> memref<1x8x2048xf32, #tpu.memory_space<vmem>>
        %dma_wait3A_310 = tpu.memref_squeeze %dma_wait3A_309 : memref<1x8x2048xf32, #tpu.memory_space<vmem>> -> memref<8x2048xf32, #tpu.memory_space<vmem>>
        %dma_wait3A_311 = arith.constant 0 : i32
        %dma_wait3A_312 = tpu.memref_slice %arg4[%add3A_292, %dma_wait3A_311] : memref<16384x2048xf32, #tpu.memory_space<hbm>> -> memref<8x2048xf32, #tpu.memory_space<hbm>>
        %dma_wait3A_313 = arith.constant 0 : i32
        %dma_wait3A_314 = tpu.memref_slice %arg4[%add3A_292, %dma_wait3A_313] : memref<16384x2048xf32, #tpu.memory_space<hbm>> -> memref<8x2048xf32, #tpu.memory_space<hbm>>
        %dma_wait3A_315 = arith.constant 0 : i32
        %dma_wait3A_316 = arith.constant 0 : i32
        %dma_wait3A_317 = tpu.memref_slice %arg6[%run_scoped3A_293, %dma_wait3A_315, %dma_wait3A_316] : memref<4x8x2048xf32, #tpu.memory_space<vmem>> -> memref<1x8x2048xf32, #tpu.memory_space<vmem>>
        %dma_wait3A_318 = tpu.memref_squeeze %dma_wait3A_317 : memref<1x8x2048xf32, #tpu.memory_space<vmem>> -> memref<8x2048xf32, #tpu.memory_space<vmem>>
        tpu.wait_dma2 semaphore(%run_scoped3A_294 : memref<!tpu.dma_semaphore, #tpu.memory_space<semaphore_mem>>) src(%dma_wait3A_318 : memref<8x2048xf32, #tpu.memory_space<vmem>>) dst(%dma_wait3A_314 : memref<8x2048xf32, #tpu.memory_space<hbm>>)
        tpu.yield
      }) : () -> ()
    }
    %scan3A_50 = arith.constant 15 : i32
    %dma_start3A_51 = arith.constant 63 : i32
    %dma_start3A_52 = arith.constant 3 : i32
    %dma_start3A_53 = arith.constant 3 : i32
    %dma_start3A_54 = arith.constant 0 : i32
    %dma_start3A_55 = arith.constant 0 : i32
    %dma_start3A_56 = tpu.memref_slice %arg6[%dma_start3A_52, %dma_start3A_54, %dma_start3A_55] : memref<4x8x2048xf32, #tpu.memory_space<vmem>> -> memref<1x8x2048xf32, #tpu.memory_space<vmem>>
    %dma_start3A_57 = tpu.memref_squeeze %dma_start3A_56 : memref<1x8x2048xf32, #tpu.memory_space<vmem>> -> memref<8x2048xf32, #tpu.memory_space<vmem>>
    %dma_start3A_58 = arith.constant 0 : i32
    %dma_start3A_59 = tpu.memref_slice %arg5[%dma_start3A_51, %dma_start3A_58] : memref<64x8xi32, #tpu.memory_space<vmem>> -> memref<1x8xi32, #tpu.memory_space<vmem>>
    %dma_start3A_60 = tpu.memref_squeeze %dma_start3A_59 : memref<1x8xi32, #tpu.memory_space<vmem>> -> memref<8xi32, #tpu.memory_space<vmem>>
    %dma_start3A_61 = arith.constant 0 : i32
    %dma_start3A_62 = arith.constant 0 : i32
    %dma_start3A_63 = tpu.memref_slice %arg3[%dma_start3A_61, %dma_start3A_62] : memref<32000x2048xf32, #tpu.memory_space<hbm>> -> memref<32000x2048xf32, #tpu.memory_space<hbm>>
    %dma_start3A_64 = tpu.memref_slice %arg7[%dma_start3A_53] : memref<4x!tpu.dma_semaphore, #tpu.memory_space<semaphore_mem>> -> memref<1x!tpu.dma_semaphore, #tpu.memory_space<semaphore_mem>>
    %dma_start3A_65 = tpu.memref_squeeze %dma_start3A_64 : memref<1x!tpu.dma_semaphore, #tpu.memory_space<semaphore_mem>> -> memref<!tpu.dma_semaphore, #tpu.memory_space<semaphore_mem>>
    tpu.enqueue_indirect_dma source(%dma_start3A_63 : memref<32000x2048xf32, #tpu.memory_space<hbm>>) target(%dma_start3A_57 : memref<8x2048xf32, #tpu.memory_space<vmem>>) offsets(%dma_start3A_60 : memref<8xi32, #tpu.memory_space<vmem>>) semaphore(%dma_start3A_65 : memref<!tpu.dma_semaphore, #tpu.memory_space<semaphore_mem>>)
    %dma_wait3A = arith.constant 0 : i32
    %dma_wait3A_66 = arith.constant 0 : i32
    %dma_wait3A_67 = arith.constant 0 : i32
    %dma_wait3A_68 = arith.constant 0 : i32
    %dma_wait3A_69 = arith.constant 0 : i32
    %dma_wait3A_70 = tpu.memref_slice %arg6[%dma_wait3A_66, %dma_wait3A_68, %dma_wait3A_69] : memref<4x8x2048xf32, #tpu.memory_space<vmem>> -> memref<1x8x2048xf32, #tpu.memory_space<vmem>>
    %dma_wait3A_71 = tpu.memref_squeeze %dma_wait3A_70 : memref<1x8x2048xf32, #tpu.memory_space<vmem>> -> memref<8x2048xf32, #tpu.memory_space<vmem>>
    %dma_wait3A_72 = arith.constant 0 : i32
    %dma_wait3A_73 = tpu.memref_slice %arg5[%dma_wait3A, %dma_wait3A_72] : memref<64x8xi32, #tpu.memory_space<vmem>> -> memref<1x8xi32, #tpu.memory_space<vmem>>
    %dma_wait3A_74 = tpu.memref_squeeze %dma_wait3A_73 : memref<1x8xi32, #tpu.memory_space<vmem>> -> memref<8xi32, #tpu.memory_space<vmem>>
    %dma_wait3A_75 = arith.constant 0 : i32
    %dma_wait3A_76 = arith.constant 0 : i32
    %dma_wait3A_77 = tpu.memref_slice %arg3[%dma_wait3A_75, %dma_wait3A_76] : memref<32000x2048xf32, #tpu.memory_space<hbm>> -> memref<32000x2048xf32, #tpu.memory_space<hbm>>
    %dma_wait3A_78 = tpu.memref_slice %arg7[%dma_wait3A_67] : memref<4x!tpu.dma_semaphore, #tpu.memory_space<semaphore_mem>> -> memref<1x!tpu.dma_semaphore, #tpu.memory_space<semaphore_mem>>
    %dma_wait3A_79 = tpu.memref_squeeze %dma_wait3A_78 : memref<1x!tpu.dma_semaphore, #tpu.memory_space<semaphore_mem>> -> memref<!tpu.dma_semaphore, #tpu.memory_space<semaphore_mem>>
    tpu.wait_indirect_dma semaphore(%dma_wait3A_79 : memref<!tpu.dma_semaphore, #tpu.memory_space<semaphore_mem>>) src(%dma_wait3A_77 : memref<32000x2048xf32, #tpu.memory_space<hbm>>) dst(%dma_wait3A_71 : memref<8x2048xf32, #tpu.memory_space<vmem>>)
    %add3A_80 = arith.constant 480 : i32
    %add3A_81 = arith.addi %mul3A_2, %add3A_80 : i32
    %run_scoped3A = arith.constant 0 : i32
    "tpu.region"() ({
      %run_scoped3A_136 = tpu.sem_alloc : memref<!tpu.dma_semaphore, #tpu.memory_space<semaphore_mem>>
      %dma_start3A_137 = arith.constant 0 : i32
      %dma_start3A_138 = arith.constant 0 : i32
      %dma_start3A_139 = tpu.memref_slice %arg6[%run_scoped3A, %dma_start3A_137, %dma_start3A_138] : memref<4x8x2048xf32, #tpu.memory_space<vmem>> -> memref<1x8x2048xf32, #tpu.memory_space<vmem>>
      %dma_start3A_140 = tpu.memref_squeeze %dma_start3A_139 : memref<1x8x2048xf32, #tpu.memory_space<vmem>> -> memref<8x2048xf32, #tpu.memory_space<vmem>>
      %dma_start3A_141 = arith.constant 0 : i32
      %dma_start3A_142 = tpu.memref_slice %arg4[%add3A_81, %dma_start3A_141] : memref<16384x2048xf32, #tpu.memory_space<hbm>> -> memref<8x2048xf32, #tpu.memory_space<hbm>>
      %dma_start3A_143 = arith.constant 0 : i32
      %dma_start3A_144 = tpu.memref_slice %arg4[%add3A_81, %dma_start3A_143] : memref<16384x2048xf32, #tpu.memory_space<hbm>> -> memref<8x2048xf32, #tpu.memory_space<hbm>>
      %dma_start3A_145 = arith.constant 0 : i32
      %dma_start3A_146 = arith.constant 0 : i32
      %dma_start3A_147 = tpu.memref_slice %arg6[%run_scoped3A, %dma_start3A_145, %dma_start3A_146] : memref<4x8x2048xf32, #tpu.memory_space<vmem>> -> memref<1x8x2048xf32, #tpu.memory_space<vmem>>
      %dma_start3A_148 = tpu.memref_squeeze %dma_start3A_147 : memref<1x8x2048xf32, #tpu.memory_space<vmem>> -> memref<8x2048xf32, #tpu.memory_space<vmem>>
      tpu.enqueue_dma source(%dma_start3A_148 : memref<8x2048xf32, #tpu.memory_space<vmem>>) target(%dma_start3A_144 : memref<8x2048xf32, #tpu.memory_space<hbm>>) target_semaphore(%run_scoped3A_136 : memref<!tpu.dma_semaphore, #tpu.memory_space<semaphore_mem>>)
      %dma_wait3A_149 = arith.constant 0 : i32
      %dma_wait3A_150 = arith.constant 0 : i32
      %dma_wait3A_151 = tpu.memref_slice %arg6[%run_scoped3A, %dma_wait3A_149, %dma_wait3A_150] : memref<4x8x2048xf32, #tpu.memory_space<vmem>> -> memref<1x8x2048xf32, #tpu.memory_space<vmem>>
      %dma_wait3A_152 = tpu.memref_squeeze %dma_wait3A_151 : memref<1x8x2048xf32, #tpu.memory_space<vmem>> -> memref<8x2048xf32, #tpu.memory_space<vmem>>
      %dma_wait3A_153 = arith.constant 0 : i32
      %dma_wait3A_154 = tpu.memref_slice %arg4[%add3A_81, %dma_wait3A_153] : memref<16384x2048xf32, #tpu.memory_space<hbm>> -> memref<8x2048xf32, #tpu.memory_space<hbm>>
      %dma_wait3A_155 = arith.constant 0 : i32
      %dma_wait3A_156 = tpu.memref_slice %arg4[%add3A_81, %dma_wait3A_155] : memref<16384x2048xf32, #tpu.memory_space<hbm>> -> memref<8x2048xf32, #tpu.memory_space<hbm>>
      %dma_wait3A_157 = arith.constant 0 : i32
      %dma_wait3A_158 = arith.constant 0 : i32
      %dma_wait3A_159 = tpu.memref_slice %arg6[%run_scoped3A, %dma_wait3A_157, %dma_wait3A_158] : memref<4x8x2048xf32, #tpu.memory_space<vmem>> -> memref<1x8x2048xf32, #tpu.memory_space<vmem>>
      %dma_wait3A_160 = tpu.memref_squeeze %dma_wait3A_159 : memref<1x8x2048xf32, #tpu.memory_space<vmem>> -> memref<8x2048xf32, #tpu.memory_space<vmem>>
      tpu.wait_dma2 semaphore(%run_scoped3A_136 : memref<!tpu.dma_semaphore, #tpu.memory_space<semaphore_mem>>) src(%dma_wait3A_160 : memref<8x2048xf32, #tpu.memory_space<vmem>>) dst(%dma_wait3A_156 : memref<8x2048xf32, #tpu.memory_space<hbm>>)
      tpu.yield
    }) : () -> ()
    %dma_wait3A_82 = arith.constant 0 : i32
    %dma_wait3A_83 = arith.constant 1 : i32
    %dma_wait3A_84 = arith.constant 1 : i32
    %dma_wait3A_85 = arith.constant 0 : i32
    %dma_wait3A_86 = arith.constant 0 : i32
    %dma_wait3A_87 = tpu.memref_slice %arg6[%dma_wait3A_83, %dma_wait3A_85, %dma_wait3A_86] : memref<4x8x2048xf32, #tpu.memory_space<vmem>> -> memref<1x8x2048xf32, #tpu.memory_space<vmem>>
    %dma_wait3A_88 = tpu.memref_squeeze %dma_wait3A_87 : memref<1x8x2048xf32, #tpu.memory_space<vmem>> -> memref<8x2048xf32, #tpu.memory_space<vmem>>
    %dma_wait3A_89 = arith.constant 0 : i32
    %dma_wait3A_90 = tpu.memref_slice %arg5[%dma_wait3A_82, %dma_wait3A_89] : memref<64x8xi32, #tpu.memory_space<vmem>> -> memref<1x8xi32, #tpu.memory_space<vmem>>
    %dma_wait3A_91 = tpu.memref_squeeze %dma_wait3A_90 : memref<1x8xi32, #tpu.memory_space<vmem>> -> memref<8xi32, #tpu.memory_space<vmem>>
    %dma_wait3A_92 = arith.constant 0 : i32
    %dma_wait3A_93 = arith.constant 0 : i32
    %dma_wait3A_94 = tpu.memref_slice %arg3[%dma_wait3A_92, %dma_wait3A_93] : memref<32000x2048xf32, #tpu.memory_space<hbm>> -> memref<32000x2048xf32, #tpu.memory_space<hbm>>
    %dma_wait3A_95 = tpu.memref_slice %arg7[%dma_wait3A_84] : memref<4x!tpu.dma_semaphore, #tpu.memory_space<semaphore_mem>> -> memref<1x!tpu.dma_semaphore, #tpu.memory_space<semaphore_mem>>
    %dma_wait3A_96 = tpu.memref_squeeze %dma_wait3A_95 : memref<1x!tpu.dma_semaphore, #tpu.memory_space<semaphore_mem>> -> memref<!tpu.dma_semaphore, #tpu.memory_space<semaphore_mem>>
    tpu.wait_indirect_dma semaphore(%dma_wait3A_96 : memref<!tpu.dma_semaphore, #tpu.memory_space<semaphore_mem>>) src(%dma_wait3A_94 : memref<32000x2048xf32, #tpu.memory_space<hbm>>) dst(%dma_wait3A_88 : memref<8x2048xf32, #tpu.memory_space<vmem>>)
    %add3A_97 = arith.constant 488 : i32
    %add3A_98 = arith.addi %mul3A_2, %add3A_97 : i32
    %run_scoped3A_99 = arith.constant 1 : i32
    "tpu.region"() ({
      %run_scoped3A_136 = tpu.sem_alloc : memref<!tpu.dma_semaphore, #tpu.memory_space<semaphore_mem>>
      %dma_start3A_137 = arith.constant 0 : i32
      %dma_start3A_138 = arith.constant 0 : i32
      %dma_start3A_139 = tpu.memref_slice %arg6[%run_scoped3A_99, %dma_start3A_137, %dma_start3A_138] : memref<4x8x2048xf32, #tpu.memory_space<vmem>> -> memref<1x8x2048xf32, #tpu.memory_space<vmem>>
      %dma_start3A_140 = tpu.memref_squeeze %dma_start3A_139 : memref<1x8x2048xf32, #tpu.memory_space<vmem>> -> memref<8x2048xf32, #tpu.memory_space<vmem>>
      %dma_start3A_141 = arith.constant 0 : i32
      %dma_start3A_142 = tpu.memref_slice %arg4[%add3A_98, %dma_start3A_141] : memref<16384x2048xf32, #tpu.memory_space<hbm>> -> memref<8x2048xf32, #tpu.memory_space<hbm>>
      %dma_start3A_143 = arith.constant 0 : i32
      %dma_start3A_144 = tpu.memref_slice %arg4[%add3A_98, %dma_start3A_143] : memref<16384x2048xf32, #tpu.memory_space<hbm>> -> memref<8x2048xf32, #tpu.memory_space<hbm>>
      %dma_start3A_145 = arith.constant 0 : i32
      %dma_start3A_146 = arith.constant 0 : i32
      %dma_start3A_147 = tpu.memref_slice %arg6[%run_scoped3A_99, %dma_start3A_145, %dma_start3A_146] : memref<4x8x2048xf32, #tpu.memory_space<vmem>> -> memref<1x8x2048xf32, #tpu.memory_space<vmem>>
      %dma_start3A_148 = tpu.memref_squeeze %dma_start3A_147 : memref<1x8x2048xf32, #tpu.memory_space<vmem>> -> memref<8x2048xf32, #tpu.memory_space<vmem>>
      tpu.enqueue_dma source(%dma_start3A_148 : memref<8x2048xf32, #tpu.memory_space<vmem>>) target(%dma_start3A_144 : memref<8x2048xf32, #tpu.memory_space<hbm>>) target_semaphore(%run_scoped3A_136 : memref<!tpu.dma_semaphore, #tpu.memory_space<semaphore_mem>>)
      %dma_wait3A_149 = arith.constant 0 : i32
      %dma_wait3A_150 = arith.constant 0 : i32
      %dma_wait3A_151 = tpu.memref_slice %arg6[%run_scoped3A_99, %dma_wait3A_149, %dma_wait3A_150] : memref<4x8x2048xf32, #tpu.memory_space<vmem>> -> memref<1x8x2048xf32, #tpu.memory_space<vmem>>
      %dma_wait3A_152 = tpu.memref_squeeze %dma_wait3A_151 : memref<1x8x2048xf32, #tpu.memory_space<vmem>> -> memref<8x2048xf32, #tpu.memory_space<vmem>>
      %dma_wait3A_153 = arith.constant 0 : i32
      %dma_wait3A_154 = tpu.memref_slice %arg4[%add3A_98, %dma_wait3A_153] : memref<16384x2048xf32, #tpu.memory_space<hbm>> -> memref<8x2048xf32, #tpu.memory_space<hbm>>
      %dma_wait3A_155 = arith.constant 0 : i32
      %dma_wait3A_156 = tpu.memref_slice %arg4[%add3A_98, %dma_wait3A_155] : memref<16384x2048xf32, #tpu.memory_space<hbm>> -> memref<8x2048xf32, #tpu.memory_space<hbm>>
      %dma_wait3A_157 = arith.constant 0 : i32
      %dma_wait3A_158 = arith.constant 0 : i32
      %dma_wait3A_159 = tpu.memref_slice %arg6[%run_scoped3A_99, %dma_wait3A_157, %dma_wait3A_158] : memref<4x8x2048xf32, #tpu.memory_space<vmem>> -> memref<1x8x2048xf32, #tpu.memory_space<vmem>>
      %dma_wait3A_160 = tpu.memref_squeeze %dma_wait3A_159 : memref<1x8x2048xf32, #tpu.memory_space<vmem>> -> memref<8x2048xf32, #tpu.memory_space<vmem>>
      tpu.wait_dma2 semaphore(%run_scoped3A_136 : memref<!tpu.dma_semaphore, #tpu.memory_space<semaphore_mem>>) src(%dma_wait3A_160 : memref<8x2048xf32, #tpu.memory_space<vmem>>) dst(%dma_wait3A_156 : memref<8x2048xf32, #tpu.memory_space<hbm>>)
      tpu.yield
    }) : () -> ()
    %dma_wait3A_100 = arith.constant 0 : i32
    %dma_wait3A_101 = arith.constant 2 : i32
    %dma_wait3A_102 = arith.constant 2 : i32
    %dma_wait3A_103 = arith.constant 0 : i32
    %dma_wait3A_104 = arith.constant 0 : i32
    %dma_wait3A_105 = tpu.memref_slice %arg6[%dma_wait3A_101, %dma_wait3A_103, %dma_wait3A_104] : memref<4x8x2048xf32, #tpu.memory_space<vmem>> -> memref<1x8x2048xf32, #tpu.memory_space<vmem>>
    %dma_wait3A_106 = tpu.memref_squeeze %dma_wait3A_105 : memref<1x8x2048xf32, #tpu.memory_space<vmem>> -> memref<8x2048xf32, #tpu.memory_space<vmem>>
    %dma_wait3A_107 = arith.constant 0 : i32
    %dma_wait3A_108 = tpu.memref_slice %arg5[%dma_wait3A_100, %dma_wait3A_107] : memref<64x8xi32, #tpu.memory_space<vmem>> -> memref<1x8xi32, #tpu.memory_space<vmem>>
    %dma_wait3A_109 = tpu.memref_squeeze %dma_wait3A_108 : memref<1x8xi32, #tpu.memory_space<vmem>> -> memref<8xi32, #tpu.memory_space<vmem>>
    %dma_wait3A_110 = arith.constant 0 : i32
    %dma_wait3A_111 = arith.constant 0 : i32
    %dma_wait3A_112 = tpu.memref_slice %arg3[%dma_wait3A_110, %dma_wait3A_111] : memref<32000x2048xf32, #tpu.memory_space<hbm>> -> memref<32000x2048xf32, #tpu.memory_space<hbm>>
    %dma_wait3A_113 = tpu.memref_slice %arg7[%dma_wait3A_102] : memref<4x!tpu.dma_semaphore, #tpu.memory_space<semaphore_mem>> -> memref<1x!tpu.dma_semaphore, #tpu.memory_space<semaphore_mem>>
    %dma_wait3A_114 = tpu.memref_squeeze %dma_wait3A_113 : memref<1x!tpu.dma_semaphore, #tpu.memory_space<semaphore_mem>> -> memref<!tpu.dma_semaphore, #tpu.memory_space<semaphore_mem>>
    tpu.wait_indirect_dma semaphore(%dma_wait3A_114 : memref<!tpu.dma_semaphore, #tpu.memory_space<semaphore_mem>>) src(%dma_wait3A_112 : memref<32000x2048xf32, #tpu.memory_space<hbm>>) dst(%dma_wait3A_106 : memref<8x2048xf32, #tpu.memory_space<vmem>>)
    %add3A_115 = arith.constant 496 : i32
    %add3A_116 = arith.addi %mul3A_2, %add3A_115 : i32
    %run_scoped3A_117 = arith.constant 2 : i32
    "tpu.region"() ({
      %run_scoped3A_136 = tpu.sem_alloc : memref<!tpu.dma_semaphore, #tpu.memory_space<semaphore_mem>>
      %dma_start3A_137 = arith.constant 0 : i32
      %dma_start3A_138 = arith.constant 0 : i32
      %dma_start3A_139 = tpu.memref_slice %arg6[%run_scoped3A_117, %dma_start3A_137, %dma_start3A_138] : memref<4x8x2048xf32, #tpu.memory_space<vmem>> -> memref<1x8x2048xf32, #tpu.memory_space<vmem>>
      %dma_start3A_140 = tpu.memref_squeeze %dma_start3A_139 : memref<1x8x2048xf32, #tpu.memory_space<vmem>> -> memref<8x2048xf32, #tpu.memory_space<vmem>>
      %dma_start3A_141 = arith.constant 0 : i32
      %dma_start3A_142 = tpu.memref_slice %arg4[%add3A_116, %dma_start3A_141] : memref<16384x2048xf32, #tpu.memory_space<hbm>> -> memref<8x2048xf32, #tpu.memory_space<hbm>>
      %dma_start3A_143 = arith.constant 0 : i32
      %dma_start3A_144 = tpu.memref_slice %arg4[%add3A_116, %dma_start3A_143] : memref<16384x2048xf32, #tpu.memory_space<hbm>> -> memref<8x2048xf32, #tpu.memory_space<hbm>>
      %dma_start3A_145 = arith.constant 0 : i32
      %dma_start3A_146 = arith.constant 0 : i32
      %dma_start3A_147 = tpu.memref_slice %arg6[%run_scoped3A_117, %dma_start3A_145, %dma_start3A_146] : memref<4x8x2048xf32, #tpu.memory_space<vmem>> -> memref<1x8x2048xf32, #tpu.memory_space<vmem>>
      %dma_start3A_148 = tpu.memref_squeeze %dma_start3A_147 : memref<1x8x2048xf32, #tpu.memory_space<vmem>> -> memref<8x2048xf32, #tpu.memory_space<vmem>>
      tpu.enqueue_dma source(%dma_start3A_148 : memref<8x2048xf32, #tpu.memory_space<vmem>>) target(%dma_start3A_144 : memref<8x2048xf32, #tpu.memory_space<hbm>>) target_semaphore(%run_scoped3A_136 : memref<!tpu.dma_semaphore, #tpu.memory_space<semaphore_mem>>)
      %dma_wait3A_149 = arith.constant 0 : i32
      %dma_wait3A_150 = arith.constant 0 : i32
      %dma_wait3A_151 = tpu.memref_slice %arg6[%run_scoped3A_117, %dma_wait3A_149, %dma_wait3A_150] : memref<4x8x2048xf32, #tpu.memory_space<vmem>> -> memref<1x8x2048xf32, #tpu.memory_space<vmem>>
      %dma_wait3A_152 = tpu.memref_squeeze %dma_wait3A_151 : memref<1x8x2048xf32, #tpu.memory_space<vmem>> -> memref<8x2048xf32, #tpu.memory_space<vmem>>
      %dma_wait3A_153 = arith.constant 0 : i32
      %dma_wait3A_154 = tpu.memref_slice %arg4[%add3A_116, %dma_wait3A_153] : memref<16384x2048xf32, #tpu.memory_space<hbm>> -> memref<8x2048xf32, #tpu.memory_space<hbm>>
      %dma_wait3A_155 = arith.constant 0 : i32
      %dma_wait3A_156 = tpu.memref_slice %arg4[%add3A_116, %dma_wait3A_155] : memref<16384x2048xf32, #tpu.memory_space<hbm>> -> memref<8x2048xf32, #tpu.memory_space<hbm>>
      %dma_wait3A_157 = arith.constant 0 : i32
      %dma_wait3A_158 = arith.constant 0 : i32
      %dma_wait3A_159 = tpu.memref_slice %arg6[%run_scoped3A_117, %dma_wait3A_157, %dma_wait3A_158] : memref<4x8x2048xf32, #tpu.memory_space<vmem>> -> memref<1x8x2048xf32, #tpu.memory_space<vmem>>
      %dma_wait3A_160 = tpu.memref_squeeze %dma_wait3A_159 : memref<1x8x2048xf32, #tpu.memory_space<vmem>> -> memref<8x2048xf32, #tpu.memory_space<vmem>>
      tpu.wait_dma2 semaphore(%run_scoped3A_136 : memref<!tpu.dma_semaphore, #tpu.memory_space<semaphore_mem>>) src(%dma_wait3A_160 : memref<8x2048xf32, #tpu.memory_space<vmem>>) dst(%dma_wait3A_156 : memref<8x2048xf32, #tpu.memory_space<hbm>>)
      tpu.yield
    }) : () -> ()
    %dma_wait3A_118 = arith.constant 0 : i32
    %dma_wait3A_119 = arith.constant 3 : i32
    %dma_wait3A_120 = arith.constant 3 : i32
    %dma_wait3A_121 = arith.constant 0 : i32
    %dma_wait3A_122 = arith.constant 0 : i32
    %dma_wait3A_123 = tpu.memref_slice %arg6[%dma_wait3A_119, %dma_wait3A_121, %dma_wait3A_122] : memref<4x8x2048xf32, #tpu.memory_space<vmem>> -> memref<1x8x2048xf32, #tpu.memory_space<vmem>>
    %dma_wait3A_124 = tpu.memref_squeeze %dma_wait3A_123 : memref<1x8x2048xf32, #tpu.memory_space<vmem>> -> memref<8x2048xf32, #tpu.memory_space<vmem>>
    %dma_wait3A_125 = arith.constant 0 : i32
    %dma_wait3A_126 = tpu.memref_slice %arg5[%dma_wait3A_118, %dma_wait3A_125] : memref<64x8xi32, #tpu.memory_space<vmem>> -> memref<1x8xi32, #tpu.memory_space<vmem>>
    %dma_wait3A_127 = tpu.memref_squeeze %dma_wait3A_126 : memref<1x8xi32, #tpu.memory_space<vmem>> -> memref<8xi32, #tpu.memory_space<vmem>>
    %dma_wait3A_128 = arith.constant 0 : i32
    %dma_wait3A_129 = arith.constant 0 : i32
    %dma_wait3A_130 = tpu.memref_slice %arg3[%dma_wait3A_128, %dma_wait3A_129] : memref<32000x2048xf32, #tpu.memory_space<hbm>> -> memref<32000x2048xf32, #tpu.memory_space<hbm>>
    %dma_wait3A_131 = tpu.memref_slice %arg7[%dma_wait3A_120] : memref<4x!tpu.dma_semaphore, #tpu.memory_space<semaphore_mem>> -> memref<1x!tpu.dma_semaphore, #tpu.memory_space<semaphore_mem>>
    %dma_wait3A_132 = tpu.memref_squeeze %dma_wait3A_131 : memref<1x!tpu.dma_semaphore, #tpu.memory_space<semaphore_mem>> -> memref<!tpu.dma_semaphore, #tpu.memory_space<semaphore_mem>>
    tpu.wait_indirect_dma semaphore(%dma_wait3A_132 : memref<!tpu.dma_semaphore, #tpu.memory_space<semaphore_mem>>) src(%dma_wait3A_130 : memref<32000x2048xf32, #tpu.memory_space<hbm>>) dst(%dma_wait3A_124 : memref<8x2048xf32, #tpu.memory_space<vmem>>)
    %add3A_133 = arith.constant 504 : i32
    %add3A_134 = arith.addi %mul3A_2, %add3A_133 : i32
    %run_scoped3A_135 = arith.constant 3 : i32
    "tpu.region"() ({
      %run_scoped3A_136 = tpu.sem_alloc : memref<!tpu.dma_semaphore, #tpu.memory_space<semaphore_mem>>
      %dma_start3A_137 = arith.constant 0 : i32
      %dma_start3A_138 = arith.constant 0 : i32
      %dma_start3A_139 = tpu.memref_slice %arg6[%run_scoped3A_135, %dma_start3A_137, %dma_start3A_138] : memref<4x8x2048xf32, #tpu.memory_space<vmem>> -> memref<1x8x2048xf32, #tpu.memory_space<vmem>>
      %dma_start3A_140 = tpu.memref_squeeze %dma_start3A_139 : memref<1x8x2048xf32, #tpu.memory_space<vmem>> -> memref<8x2048xf32, #tpu.memory_space<vmem>>
      %dma_start3A_141 = arith.constant 0 : i32
      %dma_start3A_142 = tpu.memref_slice %arg4[%add3A_134, %dma_start3A_141] : memref<16384x2048xf32, #tpu.memory_space<hbm>> -> memref<8x2048xf32, #tpu.memory_space<hbm>>
      %dma_start3A_143 = arith.constant 0 : i32
      %dma_start3A_144 = tpu.memref_slice %arg4[%add3A_134, %dma_start3A_143] : memref<16384x2048xf32, #tpu.memory_space<hbm>> -> memref<8x2048xf32, #tpu.memory_space<hbm>>
      %dma_start3A_145 = arith.constant 0 : i32
      %dma_start3A_146 = arith.constant 0 : i32
      %dma_start3A_147 = tpu.memref_slice %arg6[%run_scoped3A_135, %dma_start3A_145, %dma_start3A_146] : memref<4x8x2048xf32, #tpu.memory_space<vmem>> -> memref<1x8x2048xf32, #tpu.memory_space<vmem>>
      %dma_start3A_148 = tpu.memref_squeeze %dma_start3A_147 : memref<1x8x2048xf32, #tpu.memory_space<vmem>> -> memref<8x2048xf32, #tpu.memory_space<vmem>>
      tpu.enqueue_dma source(%dma_start3A_148 : memref<8x2048xf32, #tpu.memory_space<vmem>>) target(%dma_start3A_144 : memref<8x2048xf32, #tpu.memory_space<hbm>>) target_semaphore(%run_scoped3A_136 : memref<!tpu.dma_semaphore, #tpu.memory_space<semaphore_mem>>)
      %dma_wait3A_149 = arith.constant 0 : i32
      %dma_wait3A_150 = arith.constant 0 : i32
      %dma_wait3A_151 = tpu.memref_slice %arg6[%run_scoped3A_135, %dma_wait3A_149, %dma_wait3A_150] : memref<4x8x2048xf32, #tpu.memory_space<vmem>> -> memref<1x8x2048xf32, #tpu.memory_space<vmem>>
      %dma_wait3A_152 = tpu.memref_squeeze %dma_wait3A_151 : memref<1x8x2048xf32, #tpu.memory_space<vmem>> -> memref<8x2048xf32, #tpu.memory_space<vmem>>
      %dma_wait3A_153 = arith.constant 0 : i32
      %dma_wait3A_154 = tpu.memref_slice %arg4[%add3A_134, %dma_wait3A_153] : memref<16384x2048xf32, #tpu.memory_space<hbm>> -> memref<8x2048xf32, #tpu.memory_space<hbm>>
      %dma_wait3A_155 = arith.constant 0 : i32
      %dma_wait3A_156 = tpu.memref_slice %arg4[%add3A_134, %dma_wait3A_155] : memref<16384x2048xf32, #tpu.memory_space<hbm>> -> memref<8x2048xf32, #tpu.memory_space<hbm>>
      %dma_wait3A_157 = arith.constant 0 : i32
      %dma_wait3A_158 = arith.constant 0 : i32
      %dma_wait3A_159 = tpu.memref_slice %arg6[%run_scoped3A_135, %dma_wait3A_157, %dma_wait3A_158] : memref<4x8x2048xf32, #tpu.memory_space<vmem>> -> memref<1x8x2048xf32, #tpu.memory_space<vmem>>
      %dma_wait3A_160 = tpu.memref_squeeze %dma_wait3A_159 : memref<1x8x2048xf32, #tpu.memory_space<vmem>> -> memref<8x2048xf32, #tpu.memory_space<vmem>>
      tpu.wait_dma2 semaphore(%run_scoped3A_136 : memref<!tpu.dma_semaphore, #tpu.memory_space<semaphore_mem>>) src(%dma_wait3A_160 : memref<8x2048xf32, #tpu.memory_space<vmem>>) dst(%dma_wait3A_156 : memref<8x2048xf32, #tpu.memory_space<hbm>>)
      tpu.yield
    }) : () -> ()
    return
  }
}

</mosaic_0001>

<sc_bundles>
// kernel: kernel.3.cloned.1.call-start
scs
__scs_entry_jumppad:
0x0: {  	(pc) =	sbr.rel $0x88, $3  }
0x1: {  	(tag) =	ssettag $0x0;
	lr =	simm.s32 $0x1  }
0x2: {  	[smem:$0x3F9F] =	sst lr;
	_ =	strace $0xD0000000  }
0x3: {  	_ = 	snop  }
0x4: {  	_ = 	snop  }
0x5: {  	_ = 	snop  }
0x6: {  	_ = 	snop  }
0x7: {  	_ = 	snop  }
__scs_overlays_trampoline_lowered:
0x8: {  	[smem:$0x3FAE] =	sst s0  }
0x9: {  	[smem:$0x3FAF] =	sst s1  }
0xa: {  	[smem:$0x3FB0] =	sst s2  }
0xb: {  	[smem:$0x3FB1] =	sst s3  }
0xc: {  	[smem:$0x3FB2] =	sst s4  }
0xd: {  	[smem:$0x3FB3] =	sst s5  }
0xe: {  	[smem:$0x3FB4] =	sst s6  }
0xf: {  	[smem:$0x3FB5] =	sst s7  }
0x10: {  	[smem:$0x3FB6] =	sst s8  }
0x11: {  	[smem:$0x3FB7] =	sst s9;
	s0 =	simm.s32 @!p0 $0x0  }
0x12: {  	s1 =	sld [smem:$0x3F9D];
	s0 =	simm.s32 @p0 $0x1  }
0x13: {  	[smem:$0x3FB8] =	sst s0;
	s0 =	simm.s32 @!p1 $0x0  }
0x14: {  	s2 =	sld [smem:$0x3F9C];
	s0 =	simm.s32 @p1 $0x1  }
0x15: {  	[smem:$0x3FB9] =	sst s0;
	s0 =	simm.s32 @!p2 $0x0  }
0x16: {  	s3 =	sld [smem:$0x3FDB];
	s0 =	simm.s32 @p2 $0x1  }
0x17: {  	s4 =	simm.s32 $0x1BF5;
	[smem:$0x3FBB] =	sst s0  }
0x18: {  	s0 =	sld [smem:$0x3F9E];
	_ =	swait.ge [sflag:s4], $0x0  }
0x19: {  	s7 =	sld [smem:$0x3F9F]  }
0x1a: {  	s8 =	sadd.s32 $0xFFFFE003, lr  }
0x1b: {  	s9 =	sadd.s32 $0xFFFFFEF7, lr;
	s5 =	simm.s32 $0xFFFFFFFF;
	p2 =	slt.u32 s8, $0xFFFFF086  }
0x1c: {  	p1 =	slt.u32 s9, $0xF7A;
	s5 =	simm.s32 @!p2 $0x0  }
0x1d: {  	s5 =	simm.s32 @p1 $0x1;
	p0 =	seq.s32 s7, s2  }
0x1e: {  	s7 =	smul.u32 @!p0 $0xF7A, s2;
	p2 =	seq.s32 @!p0 s5, $0x0  }
0x1f: {  	s9 =	smul.u32 $0xF7A, s1;
	s8 =	simm.s32 @!p0 $0x1BF5;
	p2 =	por !p2, p0  }
0x20: {  	[sflag:s8] =	ssyncset.s32 @!p0 $0xFFFFF086;
	s6 =	sadd.s32 @!p0 s3, s7;
	s7 =	simm.s32 @!p0 $0x108  }
0x21: {  	s3 =	sadd.s32 s3, s9;
	s6 =	sadd.s32 @!p0 $0x88, s6;
	s7 =	simm.s32 @p2 $0x1082  }
0x22: {  	[simem:s7], [sflag:s8] =	dma.local @!p0 [hbm:s6], $0xF7A  }
0x23: {  	s9 =	sor.u32 $0xD0000000, s2;
	s6 =	simm.s32 $0x108;
	_ =	swait.ge @!p0 [sflag:s8], $0x0  }
0x24: {  	s3 =	sadd.s32 $0x88, s3;
	s6 =	simm.s32 @!p1 $0x1082;
	[sflag:s4] =	ssyncset.s32 $0xFFFFF086  }
0x25: {  	[simem:s6], [sflag:s4] =	dma.local [hbm:s3], $0xF7A  }
0x26: {  	[smem:$0x3F9F] =	sst s1;
	(tag) =	ssettag s2;
	_ =	strace s9  }
0x27: {  	s1 =	sld [smem:$0x3FAF]  }
0x28: {  	s2 =	sld [smem:$0x3FB0]  }
0x29: {  	s4 =	sld [smem:$0x3FB2]  }
0x2a: {  	p0 =	seq.s32 s5, $0x0;
	s5 =	sld [smem:$0x3FB3]  }
0x2b: {  	s6 =	sld [smem:$0x3FB4]  }
0x2c: {  	s7 =	sld [smem:$0x3FB5]  }
0x2d: {  	s3 =	simm.s32 $0x108;
	s8 =	sld [smem:$0x3FB6]  }
0x2e: {  	s3 =	simm.s32 @!p0 $0x1082;
	s9 =	sld [smem:$0x3FB7]  }
0x2f: {  	lr =	sadd.s32 s0, s3;
	s0 =	sld [smem:$0x3FAE]  }
0x30: {  	s3 =	sld [smem:$0x3FB1]  }
0x31: {  	[smem:$0x3FBA] =	sst s10  }
0x32: {  	s10 =	sld [smem:$0x3FB8];
	_ =	sdelay $0x3  }
0x33: {  	p0 =	seq.s32 s10, $0x1;
	s10 =	sld [smem:$0x3FBA];
	_ =	sdelay $0x3  }
0x34: {  	[smem:$0x3FBA] =	sst s10  }
0x35: {  	s10 =	sld [smem:$0x3FB9];
	_ =	sdelay $0x3  }
0x36: {  	p1 =	seq.s32 s10, $0x1;
	s10 =	sld [smem:$0x3FBA];
	_ =	sdelay $0x3  }
0x37: {  	[smem:$0x3FBA] =	sst s10  }
0x38: {  	s10 =	sld [smem:$0x3FBB]  }
0x39: {  	_ = 	snop;
	(pc) =	sbr.ind lr, $3  }
0x3a: {  	_ = 	snop  }
0x3b: {  	_ = 	snop  }
0x3c: {  	p2 =	seq.s32 s10, $0x1;
	s10 =	sld [smem:$0x3FBA]  }
0x3d: {  	_ =	shalt  }
0x3e: {  	_ =	shalt  }
0x3f: {  	_ =	shalt  }
0x40: {  	_ =	shalt  }
0x41: {  	_ =	shalt  }
0x42: {  	_ =	shalt  }
0x43: {  	_ =	shalt  }
0x44: {  	_ =	shalt  }
0x45: {  	_ =	shalt  }
0x46: {  	_ =	shalt  }
0x47: {  	_ =	shalt  }
0x48: {  	_ =	shalt  }
0x49: {  	_ =	shalt  }
0x4a: {  	_ =	shalt  }
0x4b: {  	_ =	shalt  }
0x4c: {  	_ =	shalt  }
0x4d: {  	_ =	shalt  }
0x4e: {  	_ =	shalt  }
0x4f: {  	_ =	shalt  }
0x50: {  	_ =	shalt  }
0x51: {  	_ =	shalt  }
0x52: {  	_ =	shalt  }
0x53: {  	_ =	shalt  }
0x54: {  	_ =	shalt  }
0x55: {  	_ =	shalt  }
0x56: {  	_ =	shalt  }
0x57: {  	_ =	shalt  }
0x58: {  	_ =	shalt  }
0x59: {  	_ =	shalt  }
0x5a: {  	_ =	shalt  }
0x5b: {  	_ =	shalt  }
0x5c: {  	_ =	shalt  }
0x5d: {  	_ =	shalt  }
0x5e: {  	_ =	shalt  }
0x5f: {  	_ =	shalt  }
0x60: {  	_ =	shalt  }
0x61: {  	_ =	shalt  }
0x62: {  	_ =	shalt  }
0x63: {  	_ =	shalt  }
0x64: {  	_ =	shalt  }
0x65: {  	_ =	shalt  }
0x66: {  	_ =	shalt  }
0x67: {  	_ =	shalt  }
0x68: {  	_ =	shalt  }
0x69: {  	_ =	shalt  }
0x6a: {  	_ =	shalt  }
0x6b: {  	_ =	shalt  }
0x6c: {  	_ =	shalt  }
0x6d: {  	_ =	shalt  }
0x6e: {  	_ =	shalt  }
0x6f: {  	_ =	shalt  }
0x70: {  	_ =	shalt  }
0x71: {  	_ =	shalt  }
0x72: {  	_ =	shalt  }
0x73: {  	_ =	shalt  }
0x74: {  	_ =	shalt  }
0x75: {  	_ =	shalt  }
0x76: {  	_ =	shalt  }
0x77: {  	_ =	shalt  }
0x78: {  	_ =	shalt  }
0x79: {  	_ =	shalt  }
0x7a: {  	_ =	shalt  }
0x7b: {  	_ =	shalt  }
0x7c: {  	_ =	shalt  }
0x7d: {  	_ =	shalt  }
0x7e: {  	_ =	shalt  }
0x7f: {  	_ =	shalt  }
0x80: {  	_ =	shalt  }
0x81: {  	_ =	shalt  }
0x82: {  	_ =	shalt  }
0x83: {  	_ =	shalt  }
0x84: {  	_ =	shalt  }
0x85: {  	_ =	shalt  }
0x86: {  	_ =	shalt  }
0x87: {  	_ =	shalt  }
.Lfunc_end0:
.L_simem_size_0:
called_computation_lowered:
.L_overlay_start_0:
0x88: {  	s2 =	sld [smem:$0x3FD9]  }
0x89: {  	s3 =	sld [smem:$0x3FFE];
	_ =	sdelay $0x1  }
0x8a: {  	s1 =	srdreg.scid  }
0x8b: {  	s0 =	sand.u32 $0x1, s1  }
0x8c: {  	s14 =	sshll.u32 s0, $0xA;
	s2 =	sadd.s32 s3, s2  }
0x8d: {  	s2 =	sadd.s32 s2, s14  }
0x8e: {  	[smem:$0x3FC6] =	sst s2  }
0x8f: {  	_ = 	snop  }
0x90: {  	s2 =	sld [smem:$0x3FD0];
	_ =	sdelay $0x2  }
0x91: {  	s4 =	simm.s32 $0xA;
	s5 =	simm.s32 $0x10;
	s15 =	sld [smem:$0x3FC8]  }
0x92: {  	[smem:s5], [sflag:s4] =	dma.local [hbm:s2], $0x1  }
0x93: {  	_ =	swait.eq [sflag:s4], $0x1  }
0x94: {  	[sflag:s4] =	ssyncset.done $0x0  }
0x95: {  	[sflag:s4] =	ssyncadd.s32 $0xFFFFFFFF  }
0x96: {  	s16 =	sld [smem:$0x10];
	(tm) =	ssettm $0x1  }
0x97: {  	s17 =	sld [smem:$0x3FFB];
	_ =	sdelay $0x3  }
0x98: {  	_ =	strace s17  }
0x99: {  	s4 =	sld [smem:$0x3FFC];
	_ =	sdelay $0x3  }
0x9a: {  	_ =	strace s4  }
0x9b: {  	s4 =	sld [smem:$0x3FFD];
	_ =	sdelay $0x3  }
0x9c: {  	_ =	strace s4  }
0x9d: {  	_ =	strace $0x8FFFFFFF  }
0x9e: {  	s18 =	sld [smem:$0x3FDB];
	_ =	sdelay $0x1  }
0x9f: {  	s19 =	simm.s32 $_scs_section_size  }
0xa0: {  	s6 =	simm.s32 $_size__tile_overlayer_lowered;
	s7 =	simm.s32 $_tile_overlayer_lowered  }
0xa1: {  	s22 =	simm.s32 $0x1BFF;
	s21 =	sshll.u32 s7, $0x1;
	s4 =	sadd.s32 s19, s18  }
0xa2: {  	s8 =	simm.s32 $0x0;
	s20 =	sshll.u32 s6, $0x1;
	s6 =	sadd.s32 s21, s4  }
0xa3: {  	[timem:s8], [sflag:s22] =	dma.local [hbm:s6], s20  }
0xa4: {  	_ =	swait.ge [sflag:s22], s20  }
0xa5: {  	s5 =	ssub.s32 $0x0, s20;
	[sflag:s22] =	ssyncset.done $0x0  }
0xa6: {  	[sflag:s22] =	ssyncadd.s32 s5;
	_ =	sdelay $0x1  }
0xa7: {  	s23 =	simm.s32 $0x1B8B  }
0xa8: {  	_ =	swait.ge [sflag:s23], $0x1  }
0xa9: {  	[sflag:s23] =	ssyncset.done $0x0  }
0xaa: {  	s25 =	simm.s32 $0x1B8E;
	s24 =	sld [smem:$0x3FFE];
	[sflag:s23] =	ssyncadd.s32 $0xFFFFFFFF  }
0xab: {  	s26 =	simm.s32 $execute0_lowered;
	[smem:$0x3FD2] =	sst s25  }
0xac: {  	s6 =	sshll.u32 s26, $0x1;
	_ =	strace $0x80000046;
	[dreg:$0x1] =	wrdreg $0xFFFFFFFF  }
0xad: {  	s28 =	simm.s32 $_size_execute0_lowered;
	s4 =	sadd.s32 s4, s6;
	[dreg:$0x0] =	wrdreg $0x0  }
0xae: {  	s6 =	sshll.u32 s28, $0x1;
	[dreg:$0x2] =	wrdreg s4  }
0xaf: {  	[dreg:$0x3] =	wrdreg s6  }
0xb0: {  	[dreg:$0x4] =	wrdreg $0xC0  }
0xb1: {  	_ =	task [dreg:s8], $0x5FFFF  }
0xb2: {  	[dreg:$0x1] =	wrdreg $0xFFFFFFFF  }
0xb3: {  	[dreg:$0x0] =	wrdreg $0x60  }
0xb4: {  	[dreg:$0x2] =	wrdreg s24  }
0xb5: {  	[dreg:$0x3] =	wrdreg s15  }
0xb6: {  	[dreg:$0x4] =	wrdreg s16  }
0xb7: {  	[dreg:$0x5] =	wrdreg $0x9  }
0xb8: {  	_ =	task.clear_ibuf [dreg:s8], $0x6FFFF;
	_ =	strace $0x90000046  }
0xb9: {  	s29 =	simm.s32 $0x9;
	_ =	strace $0x80000048  }
0xba: {  	_ =	swait.ge [sflag:s29], $0x1  }
0xbb: {  	[sflag:s29] =	ssyncadd.s32 $0xFFFFFFFF  }
0xbc: {  	_ =	strace $0x90000048  }
0xbd: {  	_ =	sfence  }
0xbe: {  	s30 =	sld [smem:$0x0];
	_ =	sdelay $0x2  }
0xbf: {  	s31 =	sshll.u32 s1, $0xD;
	s1 =	sshrl.u32 s1, $0x2  }
0xc0: {  	s3 =	sand.u32 $0x4000, s31;
	s1 =	sadd.s32 s1, s30  }
0xc1: {  	s0 =	sor.u32 s3, s0;
	s1 =	sshll.u32 s1, $0x11  }
0xc2: {  	s0 =	sor.u32 s1, s0  }
0xc3: {  	s0 =	sadd.s32 $0x8F2B, s0  }
0xc4: {  	[sflag:s0] =	ssyncadd.remote.s32 $0x1  }
0xc5: {  	_ =	sfence.sel $0xFFFF  }
0xc6: {  	[dreg:$0x0] =	wrdreg $0xFFFFFFFF;
	(pc) =	sbr.abs _section_cstart, $3  }
0xc7: {  	[dreg:$0x1] =	wrdreg $0xFFFFFFFF  }
0xc8: {  	_ =	task.clear_ibuf [dreg:s8], $0x2FFFF;
	_ =	strace $0x9FFFFFFF  }
0xc9: {  	(tm) =	ssettm $0x7FFFFFFF  }
tec
execute0_lowered:
.L_overlay_start_1:
0x0: {  	(tag) =	ssettag $0x1  }
0x1: {  	s0 =	rddreg [dreg:$0x0]  }
0x2: {  	s2 =	rddreg [dreg:$0x1];
	s1 =	srdreg.scid  }
0x3: {  	s13 =	stileid.u32;
	s4 =	rddreg [dreg:$0x2]  }
0x4: {  	s17 =	simm.s32 $0x5;
	s19 =	simm.s32 $0x2800;
	s15 =	simm.s32 $0x3000  }
0x5: {  	s16 =	simm.s32 $0x3800;
	s20 =	simm.s32 $0x4000;
	s30 =	simm.s32 $0x5000  }
0x6: {  	s28 =	simm.s32 $0x6800;
	s29 =	simm.s32 $0x7000;
	s18 =	simm.s32 $0x8000  }
0x7: {  	s31 =	simm.s32 $0x8800;
	s1 =	sand.u32 $0x1, s1;
	s3 =	sshll.u32 s13, $0x1  }
0x8: {  	s7 =	sadd.s32 $0x300, s2;
	s8 =	sadd.s32 $0x400, s2;
	s9 =	sadd.s32 $0x500, s2  }
0x9: {  	s11 =	sadd.s32 $0x700, s2;
	s13 =	sshll.u32 s13, $0x12;
	s10 =	sor.u32 s1, s3  }
0xa: {  	s3 =	simm.s32 $0x0;
	s6 =	ssub.s32 $0x2, s1;
	s1 =	sshll.u32 s1, $0x11  }
0xb: {  	s5 =	sshll.u32 s10, $0xA;
	[smem:$0x7FF] =	sst s3;
	s21 =	sshrl.u32 s6, $0x1  }
0xc: {  	s22 =	sshll.u32 s10, $0x11;
	s10 =	sadd.s32 $0x600, s2;
	s0 =	sadd.s32 s5, s0  }
0xd: {  	_ =	strace $0x80000047;
	s12 =	ssub.s32 s6, s21;
	s5 =	sadd.s32 $0x100, s2  }
0xe: {  	s6 =	sadd.s32 $0x200, s2;
	s21 =	simm.s32 $0x4800;
	s0 =	sadd.s32 $0x600, s0  }
0xf: {  	s25 =	smax.u32 s12, $0x1;
	[dreg:$0x5] =	wrdreg s0;
	s0 =	sadd.s32 s22, s4  }
0x10: {  	s12 =	simm.s32 $0xA000;
	[dreg:$0xa] =	wrdreg s25;
	s14 =	sadd.s32 $0x1E000, s0  }
0x11: {  	s4 =	sadd.s32 s13, s4;
	s23 =	sadd.s32 $0x1E800, s0;
	[dreg:$0x6] =	wrdreg s14  }
0x12: {  	s25 =	simm.s32 $0x5800;
	s24 =	sadd.s32 $0x1F000, s0;
	[dreg:$0x7] =	wrdreg s23  }
0x13: {  	s22 =	simm.s32 $0x1;
	s0 =	sadd.s32 $0x1F800, s0;
	[dreg:$0x8] =	wrdreg s24  }
0x14: {  	s13 =	simm.s32 $0x4;
	s26 =	sadd.s32 s1, s4;
	[dreg:$0x9] =	wrdreg s0  }
0x15: {  	v0 =	vlaneseq.u32;
	s1 =	simm.s32 $0x7800;
	s4 =	simm.s32 $0x3;
	[dreg:$0x4] =	wrdreg s26  }
0x16: {  	v1 =	vshrl.u32 v0, $0x3;
	s26 =	simm.s32 $0x2000;
	s24 =	simm.s32 $0x6000;
	s14 =	simm.s32 $0x0  }
0x17: {  	vm0 =	vmmov $0xffff;
	v0 =	vand.u32 $0x7, v0;
	v1 =	vmul.u32 $0x8, v1;
	s23 =	simm.s32 $0xE000;
	s0 =	simm.s32 $0x2;
	[dreg:$0xb] =	wrdreg s14  }
.LBB2_1:
0x18: {  	s14 =	rddreg [dreg:$0x5]  }
0x19: {  	[tilespmem:s3], [sflag:$0x5] =	stream.linear.gather [hbm4b:s14+s3], $0x2000, $0x38;
	[tilespmem:$0x12000] =	vst v63  }
0x1a: {  	_ =	swait.ge [sflag:s17], $0x2000  }
0x1b: {  	[sflag:s17] =	ssyncset.done $0x0  }
0x1c: {  	[sflag:s17] =	ssyncadd.s32 $0xFFFFE000  }
0x1d: {  	v2 =	vld.msk [tilespmem:$0x0], $0xff;
	_ =	sdelay $0x4  }
0x1e: {  	v3 =	vshll.u32 v2, $0x4  }
0x1f: {  	v2 =	vand.u32 $0x7, v2;
	v3 =	vand.u32 $0xFFFFFF80, v3  }
0x20: {  	v2 =	vor.u32 v2, v3  }
0x21: {  	v2 =	vperm.xlane v2, v0;
	_ =	sdelay $0x1  }
0x22: {  	v2 =	vadd.s32 v1, v2;
	_ =	sdelay $0x4  }
0x23: {  	[tilespmem:s26], [sflag:$0x1] =	stream.indirect_vreg.gather [hbm4b:s2+s3], $0x80, v2, vm0, $0xb8;
	[tilespmem:$0x12000] =	vst v63  }
0x24: {  	_ = 	snop  }
0x25: {  	[tilespmem:s19], [sflag:$0x1] =	stream.indirect_vreg.gather [hbm4b:s5+s3], $0x80, v2, vm0, $0xb8;
	[tilespmem:$0x12000] =	vst v63  }
0x26: {  	_ = 	snop  }
0x27: {  	[tilespmem:s15], [sflag:$0x1] =	stream.indirect_vreg.gather [hbm4b:s6+s3], $0x80, v2, vm0, $0xb8;
	[tilespmem:$0x12000] =	vst v63  }
0x28: {  	_ = 	snop  }
0x29: {  	[tilespmem:s16], [sflag:$0x1] =	stream.indirect_vreg.gather [hbm4b:s7+s3], $0x80, v2, vm0, $0xb8;
	[tilespmem:$0x12000] =	vst v63  }
0x2a: {  	_ = 	snop  }
0x2b: {  	[tilespmem:s20], [sflag:$0x1] =	stream.indirect_vreg.gather [hbm4b:s8+s3], $0x80, v2, vm0, $0xb8;
	[tilespmem:$0x12000] =	vst v63  }
0x2c: {  	_ = 	snop  }
0x2d: {  	[tilespmem:s21], [sflag:$0x1] =	stream.indirect_vreg.gather [hbm4b:s9+s3], $0x80, v2, vm0, $0xb8;
	[tilespmem:$0x12000] =	vst v63  }
0x2e: {  	_ = 	snop  }
0x2f: {  	[tilespmem:s30], [sflag:$0x1] =	stream.indirect_vreg.gather [hbm4b:s10+s3], $0x80, v2, vm0, $0xb8;
	[tilespmem:$0x12000] =	vst v63  }
0x30: {  	_ = 	snop  }
0x31: {  	[tilespmem:s25], [sflag:$0x1] =	stream.indirect_vreg.gather [hbm4b:s11+s3], $0x80, v2, vm0, $0xb8;
	[tilespmem:$0x12000] =	vst v63  }
0x32: {  	v2 =	vld.msk [tilespmem:$0x80], $0xff;
	_ =	sdelay $0x4  }
0x33: {  	v3 =	vshll.u32 v2, $0x4  }
0x34: {  	v2 =	vand.u32 $0x7, v2;
	v3 =	vand.u32 $0xFFFFFF80, v3  }
0x35: {  	v2 =	vor.u32 v2, v3  }
0x36: {  	v2 =	vperm.xlane v2, v0;
	_ =	sdelay $0x1  }
0x37: {  	v2 =	vadd.s32 v1, v2;
	_ =	sdelay $0x4  }
0x38: {  	[tilespmem:s24], [sflag:$0x2] =	stream.indirect_vreg.gather [hbm4b:s2+s3], $0x80, v2, vm0, $0xb8;
	[tilespmem:$0x12000] =	vst v63  }
0x39: {  	_ = 	snop  }
0x3a: {  	[tilespmem:s28], [sflag:$0x2] =	stream.indirect_vreg.gather [hbm4b:s5+s3], $0x80, v2, vm0, $0xb8;
	[tilespmem:$0x12000] =	vst v63  }
0x3b: {  	_ = 	snop  }
0x3c: {  	[tilespmem:s29], [sflag:$0x2] =	stream.indirect_vreg.gather [hbm4b:s6+s3], $0x80, v2, vm0, $0xb8;
	[tilespmem:$0x12000] =	vst v63  }
0x3d: {  	_ = 	snop  }
0x3e: {  	[tilespmem:s1], [sflag:$0x2] =	stream.indirect_vreg.gather [hbm4b:s7+s3], $0x80, v2, vm0, $0xb8;
	[tilespmem:$0x12000] =	vst v63  }
0x3f: {  	_ = 	snop  }
0x40: {  	[tilespmem:s18], [sflag:$0x2] =	stream.indirect_vreg.gather [hbm4b:s8+s3], $0x80, v2, vm0, $0xb8;
	[tilespmem:$0x12000] =	vst v63  }
0x41: {  	_ = 	snop  }
0x42: {  	[tilespmem:s31], [sflag:$0x2] =	stream.indirect_vreg.gather [hbm4b:s9+s3], $0x80, v2, vm0, $0xb8;
	[tilespmem:$0x12000] =	vst v63  }
0x43: {  	s18 =	simm.s32 $0x9000  }
0x44: {  	[tilespmem:s18], [sflag:$0x2] =	stream.indirect_vreg.gather [hbm4b:s10+s3], $0x80, v2, vm0, $0xb8;
	[tilespmem:$0x12000] =	vst v63  }
0x45: {  	s20 =	simm.s32 $0x9800  }
0x46: {  	[tilespmem:s20], [sflag:$0x2] =	stream.indirect_vreg.gather [hbm4b:s11+s3], $0x80, v2, vm0, $0xb8;
	[tilespmem:$0x12000] =	vst v63  }
0x47: {  	v2 =	vld.msk [tilespmem:$0x100], $0xff;
	_ =	sdelay $0x4  }
0x48: {  	v3 =	vshll.u32 v2, $0x4  }
0x49: {  	v2 =	vand.u32 $0x7, v2;
	v3 =	vand.u32 $0xFFFFFF80, v3  }
0x4a: {  	v2 =	vor.u32 v2, v3  }
0x4b: {  	v2 =	vperm.xlane v2, v0;
	_ =	sdelay $0x1  }
0x4c: {  	v2 =	vadd.s32 v1, v2;
	_ =	sdelay $0x4  }
0x4d: {  	[tilespmem:s12], [sflag:$0x3] =	stream.indirect_vreg.gather [hbm4b:s2+s3], $0x80, v2, vm0, $0xb8;
	[tilespmem:$0x12000] =	vst v63  }
0x4e: {  	s21 =	simm.s32 $0xA800  }
0x4f: {  	[tilespmem:s21], [sflag:$0x3] =	stream.indirect_vreg.gather [hbm4b:s5+s3], $0x80, v2, vm0, $0xb8;
	[tilespmem:$0x12000] =	vst v63  }
0x50: {  	s24 =	simm.s32 $0xB000  }
0x51: {  	[tilespmem:s24], [sflag:$0x3] =	stream.indirect_vreg.gather [hbm4b:s6+s3], $0x80, v2, vm0, $0xb8;
	[tilespmem:$0x12000] =	vst v63  }
0x52: {  	s25 =	simm.s32 $0xB800  }
0x53: {  	[tilespmem:s25], [sflag:$0x3] =	stream.indirect_vreg.gather [hbm4b:s7+s3], $0x80, v2, vm0, $0xb8;
	[tilespmem:$0x12000] =	vst v63  }
0x54: {  	s14 =	simm.s32 $0x300;
	s26 =	simm.s32 $0xC000;
	s15 =	simm.s32 $0x0  }
0x55: {  	[tilespmem:s26], [sflag:$0x3] =	stream.indirect_vreg.gather [hbm4b:s8+s3], $0x80, v2, vm0, $0xb8;
	[tilespmem:$0x12000] =	vst v63  }
0x56: {  	s30 =	simm.s32 $0xC800;
	s28 =	simm.s32 $0xD800;
	s29 =	simm.s32 $0x5800  }
0x57: {  	[tilespmem:s30], [sflag:$0x3] =	stream.indirect_vreg.gather [hbm4b:s9+s3], $0x80, v2, vm0, $0xb8;
	[tilespmem:$0x12000] =	vst v63  }
0x58: {  	s1 =	simm.s32 $0x8800;
	s31 =	simm.s32 $0x7000;
	s20 =	simm.s32 $0xD000  }
0x59: {  	[tilespmem:s20], [sflag:$0x3] =	stream.indirect_vreg.gather [hbm4b:s10+s3], $0x80, v2, vm0, $0xb8;
	[tilespmem:$0x12000] =	vst v63  }
0x5a: {  	s18 =	simm.s32 $0x8000;
	s21 =	simm.s32 $0x3800;
	s25 =	simm.s32 $0x4800  }
0x5b: {  	[tilespmem:s28], [sflag:$0x3] =	stream.indirect_vreg.gather [hbm4b:s11+s3], $0x80, v2, vm0, $0xb8;
	[tilespmem:$0x12000] =	vst v63  }
.LBB2_2:
0x5c: {  	_ =	swait.ge [sflag:s22], $0x4000  }
0x5d: {  	[sflag:s22] =	ssyncset.done $0x0  }
0x5e: {  	[sflag:s22] =	ssyncadd.s32 $0xFFFFC000  }
0x5f: {  	v2 =	vld.msk [tilespmem:s14+$0xFFFFFE80], $0xff;
	_ =	sdelay $0x4  }
0x60: {  	v3 =	vshll.u32 v2, $0x4  }
0x61: {  	v2 =	vand.u32 $0x7, v2;
	v3 =	vand.u32 $0xFFFFFF80, v3  }
0x62: {  	v2 =	vor.u32 v2, v3  }
0x63: {  	v2 =	vperm.xlane v2, v0;
	_ =	sdelay $0x1  }
0x64: {  	v2 =	vadd.s32 v1, v2;
	_ =	sdelay $0x4  }
0x65: {  	[tilespmem:s23], [sflag:$0x4] =	stream.indirect_vreg.gather [hbm4b:s2+s3], $0x80, v2, vm0, $0xb8;
	[tilespmem:$0x12000] =	vst v63  }
0x66: {  	s16 =	simm.s32 $0xE800  }
0x67: {  	[tilespmem:s16], [sflag:$0x4] =	stream.indirect_vreg.gather [hbm4b:s5+s3], $0x80, v2, vm0, $0xb8;
	[tilespmem:$0x12000] =	vst v63  }
0x68: {  	s30 =	simm.s32 $0xF000  }
0x69: {  	[tilespmem:s30], [sflag:$0x4] =	stream.indirect_vreg.gather [hbm4b:s6+s3], $0x80, v2, vm0, $0xb8;
	[tilespmem:$0x12000] =	vst v63  }
0x6a: {  	s24 =	simm.s32 $0xF800  }
0x6b: {  	[tilespmem:s24], [sflag:$0x4] =	stream.indirect_vreg.gather [hbm4b:s7+s3], $0x80, v2, vm0, $0xb8;
	[tilespmem:$0x12000] =	vst v63  }
0x6c: {  	s26 =	simm.s32 $0x10000  }
0x6d: {  	[tilespmem:s26], [sflag:$0x4] =	stream.indirect_vreg.gather [hbm4b:s8+s3], $0x80, v2, vm0, $0xb8;
	[tilespmem:$0x12000] =	vst v63  }
0x6e: {  	s30 =	simm.s32 $0x10800  }
0x6f: {  	[tilespmem:s30], [sflag:$0x4] =	stream.indirect_vreg.gather [hbm4b:s9+s3], $0x80, v2, vm0, $0xb8;
	[tilespmem:$0x12000] =	vst v63  }
0x70: {  	s24 =	simm.s32 $0x11000  }
0x71: {  	[tilespmem:s24], [sflag:$0x4] =	stream.indirect_vreg.gather [hbm4b:s10+s3], $0x80, v2, vm0, $0xb8;
	[tilespmem:$0x12000] =	vst v63  }
0x72: {  	s26 =	rddreg [dreg:$0x4];
	s24 =	simm.s32 $0x11800  }
0x73: {  	[tilespmem:s24], [sflag:$0x4] =	stream.indirect_vreg.gather [hbm4b:s11+s3], $0x80, v2, vm0, $0xb8;
	[tilespmem:$0x12000] =	vst v63  }
0x74: {  	s16 =	sadd.s32 s15, s26;
	s30 =	simm.s32 $0x2000  }
0x75: {  	[hbm4b:s16+s3] =	stream.linear.scatter [tilespmem:s30], [sflag:$0x5], $0x4000, $0x38;
	[tilespmem:$0x12000] =	vst v63  }
0x76: {  	_ =	swait.ge [sflag:s17], $0x4000  }
0x77: {  	[sflag:s17] =	ssyncset.done $0x0  }
0x78: {  	[sflag:s17] =	ssyncadd.s32 $0xFFFFC000  }
0x79: {  	_ =	swait.ge [sflag:s0], $0x4000  }
0x7a: {  	[sflag:s0] =	ssyncset.done $0x0  }
0x7b: {  	[sflag:s0] =	ssyncadd.s32 $0xFFFFC000  }
0x7c: {  	v2 =	vld.msk [tilespmem:s14+$0xFFFFFF00], $0xff;
	_ =	sdelay $0x4  }
0x7d: {  	v3 =	vshll.u32 v2, $0x4  }
0x7e: {  	v2 =	vand.u32 $0x7, v2;
	v3 =	vand.u32 $0xFFFFFF80, v3  }
0x7f: {  	v2 =	vor.u32 v2, v3  }
0x80: {  	v2 =	vperm.xlane v2, v0;
	_ =	sdelay $0x1  }
0x81: {  	v2 =	vadd.s32 v1, v2;
	_ =	sdelay $0x4  }
0x82: {  	[tilespmem:s30], [sflag:$0x1] =	stream.indirect_vreg.gather [hbm4b:s2+s3], $0x80, v2, vm0, $0xb8;
	[tilespmem:$0x12000] =	vst v63  }
0x83: {  	_ = 	snop  }
0x84: {  	[tilespmem:s19], [sflag:$0x1] =	stream.indirect_vreg.gather [hbm4b:s5+s3], $0x80, v2, vm0, $0xb8;
	[tilespmem:$0x12000] =	vst v63  }
0x85: {  	s30 =	simm.s32 $0x3000  }
0x86: {  	[tilespmem:s30], [sflag:$0x1] =	stream.indirect_vreg.gather [hbm4b:s6+s3], $0x80, v2, vm0, $0xb8;
	[tilespmem:$0x12000] =	vst v63  }
0x87: {  	_ = 	snop  }
0x88: {  	[tilespmem:s21], [sflag:$0x1] =	stream.indirect_vreg.gather [hbm4b:s7+s3], $0x80, v2, vm0, $0xb8;
	[tilespmem:$0x12000] =	vst v63  }
0x89: {  	s24 =	simm.s32 $0x4000  }
0x8a: {  	[tilespmem:s24], [sflag:$0x1] =	stream.indirect_vreg.gather [hbm4b:s8+s3], $0x80, v2, vm0, $0xb8;
	[tilespmem:$0x12000] =	vst v63  }
0x8b: {  	_ = 	snop  }
0x8c: {  	[tilespmem:s25], [sflag:$0x1] =	stream.indirect_vreg.gather [hbm4b:s9+s3], $0x80, v2, vm0, $0xb8;
	[tilespmem:$0x12000] =	vst v63  }
0x8d: {  	s30 =	simm.s32 $0x5000  }
0x8e: {  	[tilespmem:s30], [sflag:$0x1] =	stream.indirect_vreg.gather [hbm4b:s10+s3], $0x80, v2, vm0, $0xb8;
	[tilespmem:$0x12000] =	vst v63  }
0x8f: {  	_ = 	snop  }
0x90: {  	[tilespmem:s29], [sflag:$0x1] =	stream.indirect_vreg.gather [hbm4b:s11+s3], $0x80, v2, vm0, $0xb8;
	[tilespmem:$0x12000] =	vst v63  }
0x91: {  	s24 =	sadd.s32 $0x800, s16;
	s30 =	simm.s32 $0x6000  }
0x92: {  	[hbm4b:s24+s3] =	stream.linear.scatter [tilespmem:s30], [sflag:$0x5], $0x4000, $0x38;
	[tilespmem:$0x12000] =	vst v63  }
0x93: {  	_ =	swait.ge [sflag:s17], $0x4000  }
0x94: {  	[sflag:s17] =	ssyncset.done $0x0  }
0x95: {  	[sflag:s17] =	ssyncadd.s32 $0xFFFFC000  }
0x96: {  	_ =	swait.ge [sflag:s4], $0x4000  }
0x97: {  	[sflag:s4] =	ssyncset.done $0x0  }
0x98: {  	[sflag:s4] =	ssyncadd.s32 $0xFFFFC000  }
0x99: {  	v2 =	vld.msk [tilespmem:s14+$0xFFFFFF80], $0xff;
	_ =	sdelay $0x4  }
0x9a: {  	v3 =	vshll.u32 v2, $0x4  }
0x9b: {  	v2 =	vand.u32 $0x7, v2;
	v3 =	vand.u32 $0xFFFFFF80, v3  }
0x9c: {  	v2 =	vor.u32 v2, v3  }
0x9d: {  	v2 =	vperm.xlane v2, v0;
	_ =	sdelay $0x1  }
0x9e: {  	v2 =	vadd.s32 v1, v2;
	_ =	sdelay $0x4  }
0x9f: {  	[tilespmem:s30], [sflag:$0x2] =	stream.indirect_vreg.gather [hbm4b:s2+s3], $0x80, v2, vm0, $0xb8;
	[tilespmem:$0x12000] =	vst v63  }
0xa0: {  	s30 =	simm.s32 $0x6800  }
0xa1: {  	[tilespmem:s30], [sflag:$0x2] =	stream.indirect_vreg.gather [hbm4b:s5+s3], $0x80, v2, vm0, $0xb8;
	[tilespmem:$0x12000] =	vst v63  }
0xa2: {  	_ = 	snop  }
0xa3: {  	[tilespmem:s31], [sflag:$0x2] =	stream.indirect_vreg.gather [hbm4b:s6+s3], $0x80, v2, vm0, $0xb8;
	[tilespmem:$0x12000] =	vst v63  }
0xa4: {  	s30 =	simm.s32 $0x7800  }
0xa5: {  	[tilespmem:s30], [sflag:$0x2] =	stream.indirect_vreg.gather [hbm4b:s7+s3], $0x80, v2, vm0, $0xb8;
	[tilespmem:$0x12000] =	vst v63  }
0xa6: {  	_ = 	snop  }
0xa7: {  	[tilespmem:s18], [sflag:$0x2] =	stream.indirect_vreg.gather [hbm4b:s8+s3], $0x80, v2, vm0, $0xb8;
	[tilespmem:$0x12000] =	vst v63  }
0xa8: {  	_ = 	snop  }
0xa9: {  	[tilespmem:s1], [sflag:$0x2] =	stream.indirect_vreg.gather [hbm4b:s9+s3], $0x80, v2, vm0, $0xb8;
	[tilespmem:$0x12000] =	vst v63  }
0xaa: {  	s30 =	simm.s32 $0x9000  }
0xab: {  	[tilespmem:s30], [sflag:$0x2] =	stream.indirect_vreg.gather [hbm4b:s10+s3], $0x80, v2, vm0, $0xb8;
	[tilespmem:$0x12000] =	vst v63  }
0xac: {  	s30 =	simm.s32 $0x9800  }
0xad: {  	[tilespmem:s30], [sflag:$0x2] =	stream.indirect_vreg.gather [hbm4b:s11+s3], $0x80, v2, vm0, $0xb8;
	[tilespmem:$0x12000] =	vst v63  }
0xae: {  	s30 =	sadd.s32 $0x1000, s16  }
0xaf: {  	[hbm4b:s30+s3] =	stream.linear.scatter [tilespmem:s12], [sflag:$0x5], $0x4000, $0x38;
	[tilespmem:$0x12000] =	vst v63  }
0xb0: {  	_ =	swait.ge [sflag:s17], $0x4000  }
0xb1: {  	[sflag:s17] =	ssyncset.done $0x0  }
0xb2: {  	[sflag:s17] =	ssyncadd.s32 $0xFFFFC000  }
0xb3: {  	_ =	swait.ge [sflag:s13], $0x4000  }
0xb4: {  	[sflag:s13] =	ssyncset.done $0x0  }
0xb5: {  	[sflag:s13] =	ssyncadd.s32 $0xFFFFC000  }
0xb6: {  	v2 =	vld.msk [tilespmem:s14+$0x0], $0xff;
	_ =	sdelay $0x4  }
0xb7: {  	v3 =	vshll.u32 v2, $0x4  }
0xb8: {  	v2 =	vand.u32 $0x7, v2;
	v3 =	vand.u32 $0xFFFFFF80, v3  }
0xb9: {  	v2 =	vor.u32 v2, v3  }
0xba: {  	v2 =	vperm.xlane v2, v0;
	_ =	sdelay $0x1  }
0xbb: {  	v2 =	vadd.s32 v1, v2;
	_ =	sdelay $0x4  }
0xbc: {  	[tilespmem:s12], [sflag:$0x3] =	stream.indirect_vreg.gather [hbm4b:s2+s3], $0x80, v2, vm0, $0xb8;
	[tilespmem:$0x12000] =	vst v63  }
0xbd: {  	s30 =	simm.s32 $0xA800  }
0xbe: {  	[tilespmem:s30], [sflag:$0x3] =	stream.indirect_vreg.gather [hbm4b:s5+s3], $0x80, v2, vm0, $0xb8;
	[tilespmem:$0x12000] =	vst v63  }
0xbf: {  	s30 =	simm.s32 $0xB000  }
0xc0: {  	[tilespmem:s30], [sflag:$0x3] =	stream.indirect_vreg.gather [hbm4b:s6+s3], $0x80, v2, vm0, $0xb8;
	[tilespmem:$0x12000] =	vst v63  }
0xc1: {  	s30 =	simm.s32 $0xB800  }
0xc2: {  	[tilespmem:s30], [sflag:$0x3] =	stream.indirect_vreg.gather [hbm4b:s7+s3], $0x80, v2, vm0, $0xb8;
	[tilespmem:$0x12000] =	vst v63  }
0xc3: {  	s30 =	simm.s32 $0xC000  }
0xc4: {  	[tilespmem:s30], [sflag:$0x3] =	stream.indirect_vreg.gather [hbm4b:s8+s3], $0x80, v2, vm0, $0xb8;
	[tilespmem:$0x12000] =	vst v63  }
0xc5: {  	s30 =	simm.s32 $0xC800  }
0xc6: {  	[tilespmem:s30], [sflag:$0x3] =	stream.indirect_vreg.gather [hbm4b:s9+s3], $0x80, v2, vm0, $0xb8;
	[tilespmem:$0x12000] =	vst v63  }
0xc7: {  	_ = 	snop  }
0xc8: {  	[tilespmem:s20], [sflag:$0x3] =	stream.indirect_vreg.gather [hbm4b:s10+s3], $0x80, v2, vm0, $0xb8;
	[tilespmem:$0x12000] =	vst v63  }
0xc9: {  	p0 =	sne.s32 s15, $0x1C000  }
0xca: {  	[tilespmem:s28], [sflag:$0x3] =	stream.indirect_vreg.gather [hbm4b:s11+s3], $0x80, v2, vm0, $0xb8;
	[tilespmem:$0x12000] =	vst v63  }
.Ltmp0:
0xcb: {  	s16 =	sadd.s32 $0x1800, s16;
	(pc) =	sbr.rel @p0 .LBB2_2-.Ltmp0, $4  }
0xcc: {  	[hbm4b:s16+s3] =	stream.linear.scatter [tilespmem:s23], [sflag:$0x5], $0x4000, $0x38;
	[tilespmem:$0x12000] =	vst v63  }
0xcd: {  	s26 =	simm.s32 $0x2000;
	_ =	swait.ge [sflag:s17], $0x4000  }
0xce: {  	s15 =	sadd.s32 $0x2000, s15;
	s19 =	simm.s32 $0x2800;
	[sflag:s17] =	ssyncset.done $0x0  }
0xcf: {  	s24 =	simm.s32 $0x6000;
	s14 =	sadd.s32 $0x200, s14;
	[sflag:s17] =	ssyncadd.s32 $0xFFFFC000  }
0xd0: {  	v2 =	vld.msk [tilespmem:$0x1F80], $0xff;
	_ =	sdelay $0x4  }
0xd1: {  	v3 =	vshll.u32 v2, $0x4  }
0xd2: {  	v2 =	vand.u32 $0x7, v2;
	v3 =	vand.u32 $0xFFFFFF80, v3  }
0xd3: {  	v2 =	vor.u32 v2, v3  }
0xd4: {  	v2 =	vperm.xlane v2, v0;
	_ =	sdelay $0x1  }
0xd5: {  	v2 =	vadd.s32 v1, v2;
	_ =	sdelay $0x4  }
0xd6: {  	[tilespmem:s23], [sflag:$0x4] =	stream.indirect_vreg.gather [hbm4b:s2+s3], $0x80, v2, vm0, $0xb8;
	[tilespmem:$0x12000] =	vst v63  }
0xd7: {  	s1 =	simm.s32 $0xE800  }
0xd8: {  	[tilespmem:s1], [sflag:$0x4] =	stream.indirect_vreg.gather [hbm4b:s5+s3], $0x80, v2, vm0, $0xb8;
	[tilespmem:$0x12000] =	vst v63  }
0xd9: {  	s18 =	simm.s32 $0xF000  }
0xda: {  	[tilespmem:s18], [sflag:$0x4] =	stream.indirect_vreg.gather [hbm4b:s6+s3], $0x80, v2, vm0, $0xb8;
	[tilespmem:$0x12000] =	vst v63  }
0xdb: {  	s20 =	simm.s32 $0xF800  }
0xdc: {  	[tilespmem:s20], [sflag:$0x4] =	stream.indirect_vreg.gather [hbm4b:s7+s3], $0x80, v2, vm0, $0xb8;
	[tilespmem:$0x12000] =	vst v63  }
0xdd: {  	s21 =	simm.s32 $0x10000  }
0xde: {  	[tilespmem:s21], [sflag:$0x4] =	stream.indirect_vreg.gather [hbm4b:s8+s3], $0x80, v2, vm0, $0xb8;
	[tilespmem:$0x12000] =	vst v63  }
0xdf: {  	s25 =	simm.s32 $0x10800  }
0xe0: {  	[tilespmem:s25], [sflag:$0x4] =	stream.indirect_vreg.gather [hbm4b:s9+s3], $0x80, v2, vm0, $0xb8;
	[tilespmem:$0x12000] =	vst v63  }
0xe1: {  	s14 =	simm.s32 $0x11000  }
0xe2: {  	[tilespmem:s14], [sflag:$0x4] =	stream.indirect_vreg.gather [hbm4b:s10+s3], $0x80, v2, vm0, $0xb8;
	[tilespmem:$0x12000] =	vst v63  }
0xe3: {  	s15 =	simm.s32 $0x11800  }
0xe4: {  	[tilespmem:s15], [sflag:$0x4] =	stream.indirect_vreg.gather [hbm4b:s11+s3], $0x80, v2, vm0, $0xb8;
	[tilespmem:$0x12000] =	vst v63  }
0xe5: {  	_ =	swait.ge [sflag:s22], $0x4000  }
0xe6: {  	[sflag:s22] =	ssyncset.done $0x0  }
0xe7: {  	s14 =	rddreg [dreg:$0x6];
	[sflag:s22] =	ssyncadd.s32 $0xFFFFC000  }
0xe8: {  	[hbm4b:s14+s3] =	stream.linear.scatter [tilespmem:s26], [sflag:$0x5], $0x4000, $0x38;
	[tilespmem:$0x12000] =	vst v63  }
0xe9: {  	_ =	swait.ge [sflag:s17], $0x4000  }
0xea: {  	[sflag:s17] =	ssyncset.done $0x0  }
0xeb: {  	[sflag:s17] =	ssyncadd.s32 $0xFFFFC000  }
0xec: {  	_ =	swait.ge [sflag:s0], $0x4000  }
0xed: {  	[sflag:s0] =	ssyncset.done $0x0  }
0xee: {  	s16 =	rddreg [dreg:$0x7];
	[sflag:s0] =	ssyncadd.s32 $0xFFFFC000  }
0xef: {  	[hbm4b:s16+s3] =	stream.linear.scatter [tilespmem:s24], [sflag:$0x5], $0x4000, $0x38;
	[tilespmem:$0x12000] =	vst v63  }
0xf0: {  	_ =	swait.ge [sflag:s17], $0x4000  }
0xf1: {  	[sflag:s17] =	ssyncset.done $0x0  }
0xf2: {  	[sflag:s17] =	ssyncadd.s32 $0xFFFFC000  }
0xf3: {  	_ =	swait.ge [sflag:s4], $0x4000  }
0xf4: {  	[sflag:s4] =	ssyncset.done $0x0  }
0xf5: {  	s18 =	rddreg [dreg:$0x8];
	[sflag:s4] =	ssyncadd.s32 $0xFFFFC000  }
0xf6: {  	[hbm4b:s18+s3] =	stream.linear.scatter [tilespmem:s12], [sflag:$0x5], $0x4000, $0x38;
	[tilespmem:$0x12000] =	vst v63  }
0xf7: {  	_ =	swait.ge [sflag:s17], $0x4000  }
0xf8: {  	[sflag:s17] =	ssyncset.done $0x0  }
0xf9: {  	[sflag:s17] =	ssyncadd.s32 $0xFFFFC000  }
0xfa: {  	_ =	swait.ge [sflag:s13], $0x4000  }
0xfb: {  	[sflag:s13] =	ssyncset.done $0x0  }
0xfc: {  	s20 =	rddreg [dreg:$0x9];
	[sflag:s13] =	ssyncadd.s32 $0xFFFFC000  }
0xfd: {  	[hbm4b:s20+s3] =	stream.linear.scatter [tilespmem:s23], [sflag:$0x5], $0x4000, $0x38;
	[tilespmem:$0x12000] =	vst v63  }
0xfe: {  	_ =	swait.ge [sflag:s17], $0x4000  }
0xff: {  	s21 =	rddreg [dreg:$0xb]  }
0x100: {  	s25 =	rddreg [dreg:$0xa];
	s1 =	sadd.s32 $0x1, s21  }
0x101: {  	p0 =	sne.s32 s1, s25  }
.Ltmp1:
0x102: {  	s30 =	simm.s32 $0x5000;
	s28 =	simm.s32 $0x6800;
	(pc) =	sbr.rel @p0 .LBB2_1-.Ltmp1, $4  }
0x103: {  	s29 =	simm.s32 $0x7000;
	s31 =	simm.s32 $0x8800;
	s15 =	simm.s32 $0x3000  }
0x104: {  	s16 =	simm.s32 $0x3800;
	s18 =	simm.s32 $0x8000;
	[sflag:s17] =	ssyncset.done $0x0  }
0x105: {  	s20 =	simm.s32 $0x4000;
	[sflag:s17] =	ssyncadd.s32 $0xFFFFC000;
	s21 =	simm.s32 $0x4800  }
0x106: {  	[dreg:$0xb] =	wrdreg s1;
	s25 =	simm.s32 $0x5800;
	s1 =	simm.s32 $0x7800  }
0x107: {  	_ =	sfence.sel $0x180000  }
0x108: {  	[bflag:$0x0] =	sbarrier.arrive $0xFFFF  }
0x109: {  	_ =	strace $0x90000047  }
0x10a: {  	s0 =	stileid.u32;
	[bflag:$0x2] =	sbarrier.arrive $0xFFFF  }
0x10b: {  	p0 =	sne.s32 s0, $0x0;
	s0 =	rddreg [dreg:$0x3]  }
0x10c: {  	s0 =	sadd.s32 @!p0 $0x100000, s0  }
0x10d: {  	[sflag:s0] =	ssyncadd.tile.s32 @!p0 $0x1;
	_ =	shalt  }
.Lfunc_end2:
_tile_overlayer_lowered:
.L_overlay_start_2:
0x10e: {  	(tag) =	ssettag $0x2  }
0x10f: {  	s0 =	rddreg [dreg:$0x0];
	s2 =	stileid.u32  }
0x110: {  	s1 =	rddreg [dreg:$0x1];
	p0 =	sne.s32 s2, $0x0  }
0x111: {  	s3 =	rddreg [dreg:$0x2];
	[bflag:$0x3] =	sbarrier.arrive $0xFFFF;
	s2 =	simm.s32 @!p0 $0x1C05  }
0x112: {  	[timem:s3], [sflag:s2] =	dma.local @!p0 [hbm:s0], s1  }
0x113: {  	s0 =	simm.s32 @!p0 $0x5  }
0x114: {  	_ =	swait.ge @!p0 [sflag:s0], s1  }
0x115: {  	s1 =	ssub.s32 @!p0 $0x0, s1;
	[sflag:s0] =	ssyncset.done @!p0 $0x0  }
0x116: {  	[sflag:s0] =	ssyncadd.s32 @!p0 s1  }
0x117: {  	[bflag:$0x3] =	sbarrier.arrive $0xFFFF  }
0x118: {  	_ =	shalt  }

</sc_bundles>
